<compile_context>
chip_gen: v7x
topology: tpu7x:2x2x1
jax: 0.10.2.dev20260603
libtpu: 0.0.44.dev20260713+nightly
codegen_flags: <defaults>
</compile_context>

<pallas_src>
import functools

import jax
import jax.numpy as jnp
from jax import lax
from jax.experimental import pallas as pl
from jax.experimental.pallas import tpu as pltpu
from jax.experimental.pallas import tpu_sc as plsc

_DIM = 128
_NUM_POS = 100000

_ROW_BLOCK = 4000
_PI = 3.141592653589793
_HALF_PI = _PI / 2


def _fast_sin(x):
    sign = jnp.where(x > _PI, -1.0, 1.0)
    y = jnp.where(x > _PI, x - _PI, x)
    y = jnp.where(y > _HALF_PI, _PI - y, y)
    s = y * y
    p = jnp.float32(1.0 / 362880)
    p = p * s + jnp.float32(-1.0 / 5040)
    p = p * s + jnp.float32(1.0 / 120)
    p = p * s + jnp.float32(-1.0 / 6)
    p = p * s + 1.0
    return sign * y * p


def _table_body(out_ref):
    i = pl.program_id(0)
    r = jax.lax.broadcasted_iota(jnp.int32, (_ROW_BLOCK, _DIM), 0)
    r = (r + i * _ROW_BLOCK).astype(jnp.float32)
    b = r * jnp.float32(1.0 / 10000.0)
    c = jax.lax.broadcasted_iota(jnp.int32, (_ROW_BLOCK, _DIM), 1)
    k = c // 2
    e = k.astype(jnp.float32) * jnp.float32(1.0 / _DIM)
    phase = jnp.where(k == 0, 1.0, jnp.exp2(e * jnp.log2(b)))
    phase = phase + jnp.where(c % 2 == 0, 0.0, _HALF_PI)
    out_ref[...] = _fast_sin(phase)


def _build_table():
    return pl.pallas_call(
        _table_body,
        out_shape=jax.ShapeDtypeStruct((_NUM_POS, _DIM), jnp.float32),
        grid=(_NUM_POS // _ROW_BLOCK,),
        out_specs=pl.BlockSpec((_ROW_BLOCK, _DIM), lambda i: (i, 0)),
    )()


_T_ROWS = 16384
_T_COLS = 50
_B = _T_ROWS * _T_COLS
_NW = 32
_I_PER_W = _T_ROWS // _NW
_H = _I_PER_W // 2


_NBUF = 4


def _gather_kernel(
    table_hbm, idx_hbm, out_hbm, idx_a, idx_b,
    rows_0, rows_1, rows_2, rows_3, isem_a, isem_b,
    gsem_0, gsem_1, gsem_2, gsem_3, osem_0, osem_1, osem_2, osem_3
):
    nc = 2
    wid = lax.axis_index("s") * nc + lax.axis_index("c")
    base_i = wid * _I_PER_W
    rows = (rows_0, rows_1, rows_2, rows_3)
    gsems = (gsem_0, gsem_1, gsem_2, gsem_3)
    osems = (osem_0, osem_1, osem_2, osem_3)

    def do_column(j, idx_v):
        handles = []
        for u in range(_NBUF):
            @pl.when(j > 0)
            def _(u=u):
                pltpu.make_async_copy(
                    rows[u],
                    out_hbm.at[
                        pl.ds((j - 1) * _T_ROWS + base_i + u * _DIM, _DIM)
                    ],
                    osems[u],
                ).wait()

            handles.append(
                pltpu.async_copy(
                    table_hbm.at[idx_v.at[pl.ds(u * _DIM, _DIM)]],
                    rows[u],
                    gsems[u],
                )
            )
        for u in range(_NBUF):
            handles[u].wait()
            pltpu.async_copy(
                rows[u],
                out_hbm.at[pl.ds(j * _T_ROWS + base_i + u * _DIM, _DIM)],
                osems[u],
            )

    pltpu.async_copy(idx_hbm.at[pl.ds(base_i, _I_PER_W)], idx_a, isem_a)
    pltpu.async_copy(
        idx_hbm.at[pl.ds(_T_ROWS + base_i, _I_PER_W)], idx_b, isem_b
    )

    def column_pair(p, carry):
        for j, idx_v, isem in ((2 * p, idx_a, isem_a), (2 * p + 1, idx_b, isem_b)):
            pltpu.make_async_copy(
                idx_hbm.at[pl.ds(j * _T_ROWS + base_i, _I_PER_W)], idx_v, isem
            ).wait()
            do_column(j, idx_v)

            @pl.when(p < _T_COLS // 2 - 1)
            def _(j=j, idx_v=idx_v, isem=isem):
                pltpu.async_copy(
                    idx_hbm.at[pl.ds((j + 2) * _T_ROWS + base_i, _I_PER_W)],
                    idx_v,
                    isem,
                )

        return carry

    lax.fori_loop(0, _T_COLS // 2, column_pair, 0)
    j_last = _T_COLS - 1
    for u in range(_NBUF):
        pltpu.make_async_copy(
            rows[u],
            out_hbm.at[pl.ds(j_last * _T_ROWS + base_i + u * _DIM, _DIM)],
            osems[u],
        ).wait()


def _gather(table, idx_flat):
    mesh = plsc.VectorSubcoreMesh(core_axis_name="c", subcore_axis_name="s")
    f = functools.partial(
        pl.kernel,
        mesh=mesh,
        out_type=jax.ShapeDtypeStruct((_B, _DIM), jnp.float32),
        scratch_types=(
            [pltpu.VMEM((_I_PER_W,), jnp.int32)] * 2
            + [pltpu.VMEM((_DIM, _DIM), jnp.float32)] * _NBUF
            + [pltpu.SemaphoreType.DMA] * (2 + 2 * _NBUF)
        ),
    )(_gather_kernel)
    return f(table, idx_flat)


def kernel(t):
    idx = t.T.astype(jnp.int32).reshape(-1)
    table = _build_table()
    out = _gather(table, idx)
    return out.reshape(_T_COLS, _T_ROWS, _DIM).transpose(1, 0, 2)

# --- scband reference (transcript-rebuilt; emitter-appended) ---
"""Pipeline reference for scband-positional-embeddings-1812476199634 (READ-ONLY COPY).

The authoritative reference and input builder live on the scoring server;
editing this copy changes nothing except your own understanding.
"""

import jax, jax.numpy as jnp
import numpy as np

DIM = 128
NUM_POS = 100000

def setup_inputs(seed: int = 0) -> dict:
    key = jax.random.key(seed)
    t = jax.random.randint(key, (16384, 50), 0, NUM_POS, dtype=jnp.int64 if jax.config.jax_enable_x64 else jnp.int32)
    return {"t": t}

def reference(t) -> jnp.ndarray:
    half_dim = DIM // 2
    b = (jnp.arange(NUM_POS, dtype=jnp.float32) / 10000.0)[:, None]
    e = (jnp.arange(half_dim, dtype=jnp.float32) / DIM)[None, :]
    embeddings = b ** e
    embeddings = jnp.stack((jnp.sin(embeddings), jnp.cos(embeddings)), axis=-1)
    embeddings = embeddings.reshape(NUM_POS, DIM)
    out = jnp.take(embeddings, t, axis=0)
    return out

if __name__ == "__main__":
    import jax
    _d = setup_inputs()
    print(jax.jit(kernel)(*tuple(_d.values())))

</pallas_src>

<mosaic_0001>
#map = affine_map<(d0, d1) -> (0, 0)>
#map1 = affine_map<(d0, d1) -> (0)>
module attributes {stable_mosaic.version = 14 : i64} {
  func.func @_gather_kernel(%arg0: i32, %arg1: i32, %arg2: memref<100000x128xf32, #tpu.memory_space<hbm>>, %arg3: memref<819200xi32, #tpu.memory_space<hbm>>, %arg4: memref<819200x128xf32, #tpu.memory_space<hbm>>, %arg5: memref<512xi32, #tpu.memory_space<vmem>>, %arg6: memref<512xi32, #tpu.memory_space<vmem>>, %arg7: memref<128x128xf32, #tpu.memory_space<vmem>>, %arg8: memref<128x128xf32, #tpu.memory_space<vmem>>, %arg9: memref<128x128xf32, #tpu.memory_space<vmem>>, %arg10: memref<128x128xf32, #tpu.memory_space<vmem>>, %arg11: memref<!tpu.dma_semaphore, #tpu.memory_space<semaphore_mem>>, %arg12: memref<!tpu.dma_semaphore, #tpu.memory_space<semaphore_mem>>, %arg13: memref<!tpu.dma_semaphore, #tpu.memory_space<semaphore_mem>>, %arg14: memref<!tpu.dma_semaphore, #tpu.memory_space<semaphore_mem>>, %arg15: memref<!tpu.dma_semaphore, #tpu.memory_space<semaphore_mem>>, %arg16: memref<!tpu.dma_semaphore, #tpu.memory_space<semaphore_mem>>, %arg17: memref<!tpu.dma_semaphore, #tpu.memory_space<semaphore_mem>>, %arg18: memref<!tpu.dma_semaphore, #tpu.memory_space<semaphore_mem>>, %arg19: memref<!tpu.dma_semaphore, #tpu.memory_space<semaphore_mem>>, %arg20: memref<!tpu.dma_semaphore, #tpu.memory_space<semaphore_mem>>) attributes {dimension_semantics = [#tpu.dimension_semantics<core_parallel>, #tpu.dimension_semantics<subcore_parallel>], iteration_bounds = array<i64: 2, 16>, scalar_prefetch = 0 : i64, scratch_operands = 16 : i64, tpu.core_type = #tpu.core_type<sc_vector_subcore>, window_params = [{transform_indices = #map}, {transform_indices = #map1}, {transform_indices = #map}]} {
    %mul3A = arith.constant 2 : i32
    %mul3A_0 = arith.muli %arg1, %mul3A : i32
    %add3A = arith.addi %mul3A_0, %arg0 : i32
    %mul3A_1 = arith.constant 512 : i32
    %mul3A_2 = arith.muli %add3A, %mul3A_1 : i32
    %dma_start3A = tpu.memref_slice %arg3[%mul3A_2] : memref<819200xi32, #tpu.memory_space<hbm>> -> memref<512xi32, #tpu.memory_space<hbm>>
    %dma_start3A_3 = tpu.memref_slice %arg3[%mul3A_2] : memref<819200xi32, #tpu.memory_space<hbm>> -> memref<512xi32, #tpu.memory_space<hbm>>
    tpu.enqueue_dma source(%dma_start3A_3 : memref<512xi32, #tpu.memory_space<hbm>>) target(%arg5 : memref<512xi32, #tpu.memory_space<vmem>>) target_semaphore(%arg11 : memref<!tpu.dma_semaphore, #tpu.memory_space<semaphore_mem>>)
    %add3A_4 = arith.constant 16384 : i32
    %add3A_5 = arith.addi %add3A_4, %mul3A_2 : i32
    %dma_start3A_6 = tpu.memref_slice %arg3[%add3A_5] : memref<819200xi32, #tpu.memory_space<hbm>> -> memref<512xi32, #tpu.memory_space<hbm>>
    %dma_start3A_7 = tpu.memref_slice %arg3[%add3A_5] : memref<819200xi32, #tpu.memory_space<hbm>> -> memref<512xi32, #tpu.memory_space<hbm>>
    tpu.enqueue_dma source(%dma_start3A_7 : memref<512xi32, #tpu.memory_space<hbm>>) target(%arg6 : memref<512xi32, #tpu.memory_space<vmem>>) target_semaphore(%arg12 : memref<!tpu.dma_semaphore, #tpu.memory_space<semaphore_mem>>)
    %scan3A = arith.constant 0 : i32
    %scan3A_8 = arith.constant 0 : i32
    %scan3A_9 = arith.constant 25 : i32
    %scan3A_10 = arith.addi %scan3A_8, %scan3A_9 : i32
    %scan3A_11 = arith.constant 1 : i32
    scf.for %scan3A_44 = %scan3A_8 to %scan3A_10 step %scan3A_11  : i32 {
      %mul3A_45 = arith.constant 2 : i32
      %mul3A_46 = arith.muli %mul3A_45, %scan3A_44 : i32
      %mul3A_47 = arith.constant 2 : i32
      %mul3A_48 = arith.muli %mul3A_47, %scan3A_44 : i32
      %add3A_49 = arith.constant 1 : i32
      %add3A_50 = arith.addi %mul3A_48, %add3A_49 : i32
      %mul3A_51 = arith.constant 16384 : i32
      %mul3A_52 = arith.muli %mul3A_46, %mul3A_51 : i32
      %add3A_53 = arith.addi %mul3A_52, %mul3A_2 : i32
      %dma_wait3A_54 = tpu.memref_slice %arg3[%add3A_53] : memref<819200xi32, #tpu.memory_space<hbm>> -> memref<512xi32, #tpu.memory_space<hbm>>
      %dma_wait3A_55 = tpu.memref_slice %arg3[%add3A_53] : memref<819200xi32, #tpu.memory_space<hbm>> -> memref<512xi32, #tpu.memory_space<hbm>>
      tpu.wait_dma2 semaphore(%arg11 : memref<!tpu.dma_semaphore, #tpu.memory_space<semaphore_mem>>) src(%dma_wait3A_55 : memref<512xi32, #tpu.memory_space<hbm>>) dst(%arg5 : memref<512xi32, #tpu.memory_space<vmem>>)
      %gt3A = arith.constant 0 : i32
      %gt3A_56 = arith.cmpi sgt, %mul3A_46, %gt3A : i32
      %convert_element_type3A = arith.extui %gt3A_56 : i1 to i32
      %cond3A = arith.constant 0 : i32
      %cond3A_57 = arith.cmpi ne, %convert_element_type3A, %cond3A : i32
      scf.if %cond3A_57 {
        %sub3A = arith.constant 1 : i32
        %sub3A_259 = arith.subi %mul3A_46, %sub3A : i32
        %mul3A_260 = arith.constant 16384 : i32
        %mul3A_261 = arith.muli %sub3A_259, %mul3A_260 : i32
        %add3A_262 = arith.addi %mul3A_261, %mul3A_2 : i32
        %add3A_263 = arith.constant 0 : i32
        %add3A_264 = arith.addi %add3A_262, %add3A_263 : i32
        %dma_wait3A_265 = arith.constant 0 : i32
        %dma_wait3A_266 = tpu.memref_slice %arg4[%add3A_264, %dma_wait3A_265] : memref<819200x128xf32, #tpu.memory_space<hbm>> -> memref<128x128xf32, #tpu.memory_space<hbm>>
        %dma_wait3A_267 = arith.constant 0 : i32
        %dma_wait3A_268 = tpu.memref_slice %arg4[%add3A_264, %dma_wait3A_267] : memref<819200x128xf32, #tpu.memory_space<hbm>> -> memref<128x128xf32, #tpu.memory_space<hbm>>
        tpu.wait_dma2 semaphore(%arg17 : memref<!tpu.dma_semaphore, #tpu.memory_space<semaphore_mem>>) src(%arg7 : memref<128x128xf32, #tpu.memory_space<vmem>>) dst(%dma_wait3A_268 : memref<128x128xf32, #tpu.memory_space<hbm>>)
      } else {
      }
      %dma_start3A_58 = arith.constant 0 : i32
      %dma_start3A_59 = tpu.memref_slice %arg5[%dma_start3A_58] : memref<512xi32, #tpu.memory_space<vmem>> -> memref<128xi32, #tpu.memory_space<vmem>>
      %dma_start3A_60 = arith.constant 0 : i32
      %dma_start3A_61 = arith.constant 0 : i32
      %dma_start3A_62 = tpu.memref_slice %arg2[%dma_start3A_60, %dma_start3A_61] : memref<100000x128xf32, #tpu.memory_space<hbm>> -> memref<100000x128xf32, #tpu.memory_space<hbm>>
      tpu.enqueue_indirect_dma source(%dma_start3A_62 : memref<100000x128xf32, #tpu.memory_space<hbm>>) target(%arg7 : memref<128x128xf32, #tpu.memory_space<vmem>>) offsets(%dma_start3A_59 : memref<128xi32, #tpu.memory_space<vmem>>) semaphore(%arg13 : memref<!tpu.dma_semaphore, #tpu.memory_space<semaphore_mem>>)
      %gt3A_63 = arith.constant 0 : i32
      %gt3A_64 = arith.cmpi sgt, %mul3A_46, %gt3A_63 : i32
      %convert_element_type3A_65 = arith.extui %gt3A_64 : i1 to i32
      %cond3A_66 = arith.constant 0 : i32
      %cond3A_67 = arith.cmpi ne, %convert_element_type3A_65, %cond3A_66 : i32
      scf.if %cond3A_67 {
        %sub3A = arith.constant 1 : i32
        %sub3A_259 = arith.subi %mul3A_46, %sub3A : i32
        %mul3A_260 = arith.constant 16384 : i32
        %mul3A_261 = arith.muli %sub3A_259, %mul3A_260 : i32
        %add3A_262 = arith.addi %mul3A_261, %mul3A_2 : i32
        %add3A_263 = arith.constant 128 : i32
        %add3A_264 = arith.addi %add3A_262, %add3A_263 : i32
        %dma_wait3A_265 = arith.constant 0 : i32
        %dma_wait3A_266 = tpu.memref_slice %arg4[%add3A_264, %dma_wait3A_265] : memref<819200x128xf32, #tpu.memory_space<hbm>> -> memref<128x128xf32, #tpu.memory_space<hbm>>
        %dma_wait3A_267 = arith.constant 0 : i32
        %dma_wait3A_268 = tpu.memref_slice %arg4[%add3A_264, %dma_wait3A_267] : memref<819200x128xf32, #tpu.memory_space<hbm>> -> memref<128x128xf32, #tpu.memory_space<hbm>>
        tpu.wait_dma2 semaphore(%arg18 : memref<!tpu.dma_semaphore, #tpu.memory_space<semaphore_mem>>) src(%arg8 : memref<128x128xf32, #tpu.memory_space<vmem>>) dst(%dma_wait3A_268 : memref<128x128xf32, #tpu.memory_space<hbm>>)
      } else {
      }
      %dma_start3A_68 = arith.constant 128 : i32
      %dma_start3A_69 = tpu.memref_slice %arg5[%dma_start3A_68] : memref<512xi32, #tpu.memory_space<vmem>> -> memref<128xi32, #tpu.memory_space<vmem>>
      %dma_start3A_70 = arith.constant 0 : i32
      %dma_start3A_71 = arith.constant 0 : i32
      %dma_start3A_72 = tpu.memref_slice %arg2[%dma_start3A_70, %dma_start3A_71] : memref<100000x128xf32, #tpu.memory_space<hbm>> -> memref<100000x128xf32, #tpu.memory_space<hbm>>
      tpu.enqueue_indirect_dma source(%dma_start3A_72 : memref<100000x128xf32, #tpu.memory_space<hbm>>) target(%arg8 : memref<128x128xf32, #tpu.memory_space<vmem>>) offsets(%dma_start3A_69 : memref<128xi32, #tpu.memory_space<vmem>>) semaphore(%arg14 : memref<!tpu.dma_semaphore, #tpu.memory_space<semaphore_mem>>)
      %gt3A_73 = arith.constant 0 : i32
      %gt3A_74 = arith.cmpi sgt, %mul3A_46, %gt3A_73 : i32
      %convert_element_type3A_75 = arith.extui %gt3A_74 : i1 to i32
      %cond3A_76 = arith.constant 0 : i32
      %cond3A_77 = arith.cmpi ne, %convert_element_type3A_75, %cond3A_76 : i32
      scf.if %cond3A_77 {
        %sub3A = arith.constant 1 : i32
        %sub3A_259 = arith.subi %mul3A_46, %sub3A : i32
        %mul3A_260 = arith.constant 16384 : i32
        %mul3A_261 = arith.muli %sub3A_259, %mul3A_260 : i32
        %add3A_262 = arith.addi %mul3A_261, %mul3A_2 : i32
        %add3A_263 = arith.constant 256 : i32
        %add3A_264 = arith.addi %add3A_262, %add3A_263 : i32
        %dma_wait3A_265 = arith.constant 0 : i32
        %dma_wait3A_266 = tpu.memref_slice %arg4[%add3A_264, %dma_wait3A_265] : memref<819200x128xf32, #tpu.memory_space<hbm>> -> memref<128x128xf32, #tpu.memory_space<hbm>>
        %dma_wait3A_267 = arith.constant 0 : i32
        %dma_wait3A_268 = tpu.memref_slice %arg4[%add3A_264, %dma_wait3A_267] : memref<819200x128xf32, #tpu.memory_space<hbm>> -> memref<128x128xf32, #tpu.memory_space<hbm>>
        tpu.wait_dma2 semaphore(%arg19 : memref<!tpu.dma_semaphore, #tpu.memory_space<semaphore_mem>>) src(%arg9 : memref<128x128xf32, #tpu.memory_space<vmem>>) dst(%dma_wait3A_268 : memref<128x128xf32, #tpu.memory_space<hbm>>)
      } else {
      }
      %dma_start3A_78 = arith.constant 256 : i32
      %dma_start3A_79 = tpu.memref_slice %arg5[%dma_start3A_78] : memref<512xi32, #tpu.memory_space<vmem>> -> memref<128xi32, #tpu.memory_space<vmem>>
      %dma_start3A_80 = arith.constant 0 : i32
      %dma_start3A_81 = arith.constant 0 : i32
      %dma_start3A_82 = tpu.memref_slice %arg2[%dma_start3A_80, %dma_start3A_81] : memref<100000x128xf32, #tpu.memory_space<hbm>> -> memref<100000x128xf32, #tpu.memory_space<hbm>>
      tpu.enqueue_indirect_dma source(%dma_start3A_82 : memref<100000x128xf32, #tpu.memory_space<hbm>>) target(%arg9 : memref<128x128xf32, #tpu.memory_space<vmem>>) offsets(%dma_start3A_79 : memref<128xi32, #tpu.memory_space<vmem>>) semaphore(%arg15 : memref<!tpu.dma_semaphore, #tpu.memory_space<semaphore_mem>>)
      %gt3A_83 = arith.constant 0 : i32
      %gt3A_84 = arith.cmpi sgt, %mul3A_46, %gt3A_83 : i32
      %convert_element_type3A_85 = arith.extui %gt3A_84 : i1 to i32
      %cond3A_86 = arith.constant 0 : i32
      %cond3A_87 = arith.cmpi ne, %convert_element_type3A_85, %cond3A_86 : i32
      scf.if %cond3A_87 {
        %sub3A = arith.constant 1 : i32
        %sub3A_259 = arith.subi %mul3A_46, %sub3A : i32
        %mul3A_260 = arith.constant 16384 : i32
        %mul3A_261 = arith.muli %sub3A_259, %mul3A_260 : i32
        %add3A_262 = arith.addi %mul3A_261, %mul3A_2 : i32
        %add3A_263 = arith.constant 384 : i32
        %add3A_264 = arith.addi %add3A_262, %add3A_263 : i32
        %dma_wait3A_265 = arith.constant 0 : i32
        %dma_wait3A_266 = tpu.memref_slice %arg4[%add3A_264, %dma_wait3A_265] : memref<819200x128xf32, #tpu.memory_space<hbm>> -> memref<128x128xf32, #tpu.memory_space<hbm>>
        %dma_wait3A_267 = arith.constant 0 : i32
        %dma_wait3A_268 = tpu.memref_slice %arg4[%add3A_264, %dma_wait3A_267] : memref<819200x128xf32, #tpu.memory_space<hbm>> -> memref<128x128xf32, #tpu.memory_space<hbm>>
        tpu.wait_dma2 semaphore(%arg20 : memref<!tpu.dma_semaphore, #tpu.memory_space<semaphore_mem>>) src(%arg10 : memref<128x128xf32, #tpu.memory_space<vmem>>) dst(%dma_wait3A_268 : memref<128x128xf32, #tpu.memory_space<hbm>>)
      } else {
      }
      %dma_start3A_88 = arith.constant 384 : i32
      %dma_start3A_89 = tpu.memref_slice %arg5[%dma_start3A_88] : memref<512xi32, #tpu.memory_space<vmem>> -> memref<128xi32, #tpu.memory_space<vmem>>
      %dma_start3A_90 = arith.constant 0 : i32
      %dma_start3A_91 = arith.constant 0 : i32
      %dma_start3A_92 = tpu.memref_slice %arg2[%dma_start3A_90, %dma_start3A_91] : memref<100000x128xf32, #tpu.memory_space<hbm>> -> memref<100000x128xf32, #tpu.memory_space<hbm>>
      tpu.enqueue_indirect_dma source(%dma_start3A_92 : memref<100000x128xf32, #tpu.memory_space<hbm>>) target(%arg10 : memref<128x128xf32, #tpu.memory_space<vmem>>) offsets(%dma_start3A_89 : memref<128xi32, #tpu.memory_space<vmem>>) semaphore(%arg16 : memref<!tpu.dma_semaphore, #tpu.memory_space<semaphore_mem>>)
      %dma_wait3A_93 = arith.constant 0 : i32
      %dma_wait3A_94 = tpu.memref_slice %arg5[%dma_wait3A_93] : memref<512xi32, #tpu.memory_space<vmem>> -> memref<128xi32, #tpu.memory_space<vmem>>
      %dma_wait3A_95 = arith.constant 0 : i32
      %dma_wait3A_96 = arith.constant 0 : i32
      %dma_wait3A_97 = tpu.memref_slice %arg2[%dma_wait3A_95, %dma_wait3A_96] : memref<100000x128xf32, #tpu.memory_space<hbm>> -> memref<100000x128xf32, #tpu.memory_space<hbm>>
      tpu.wait_indirect_dma semaphore(%arg13 : memref<!tpu.dma_semaphore, #tpu.memory_space<semaphore_mem>>) src(%dma_wait3A_97 : memref<100000x128xf32, #tpu.memory_space<hbm>>) dst(%arg7 : memref<128x128xf32, #tpu.memory_space<vmem>>)
      %mul3A_98 = arith.constant 16384 : i32
      %mul3A_99 = arith.muli %mul3A_46, %mul3A_98 : i32
      %add3A_100 = arith.addi %mul3A_99, %mul3A_2 : i32
      %add3A_101 = arith.constant 0 : i32
      %add3A_102 = arith.addi %add3A_100, %add3A_101 : i32
      %dma_start3A_103 = arith.constant 0 : i32
      %dma_start3A_104 = tpu.memref_slice %arg4[%add3A_102, %dma_start3A_103] : memref<819200x128xf32, #tpu.memory_space<hbm>> -> memref<128x128xf32, #tpu.memory_space<hbm>>
      %dma_start3A_105 = arith.constant 0 : i32
      %dma_start3A_106 = tpu.memref_slice %arg4[%add3A_102, %dma_start3A_105] : memref<819200x128xf32, #tpu.memory_space<hbm>> -> memref<128x128xf32, #tpu.memory_space<hbm>>
      tpu.enqueue_dma source(%arg7 : memref<128x128xf32, #tpu.memory_space<vmem>>) target(%dma_start3A_106 : memref<128x128xf32, #tpu.memory_space<hbm>>) target_semaphore(%arg17 : memref<!tpu.dma_semaphore, #tpu.memory_space<semaphore_mem>>)
      %dma_wait3A_107 = arith.constant 128 : i32
      %dma_wait3A_108 = tpu.memref_slice %arg5[%dma_wait3A_107] : memref<512xi32, #tpu.memory_space<vmem>> -> memref<128xi32, #tpu.memory_space<vmem>>
      %dma_wait3A_109 = arith.constant 0 : i32
      %dma_wait3A_110 = arith.constant 0 : i32
      %dma_wait3A_111 = tpu.memref_slice %arg2[%dma_wait3A_109, %dma_wait3A_110] : memref<100000x128xf32, #tpu.memory_space<hbm>> -> memref<100000x128xf32, #tpu.memory_space<hbm>>
      tpu.wait_indirect_dma semaphore(%arg14 : memref<!tpu.dma_semaphore, #tpu.memory_space<semaphore_mem>>) src(%dma_wait3A_111 : memref<100000x128xf32, #tpu.memory_space<hbm>>) dst(%arg8 : memref<128x128xf32, #tpu.memory_space<vmem>>)
      %mul3A_112 = arith.constant 16384 : i32
      %mul3A_113 = arith.muli %mul3A_46, %mul3A_112 : i32
      %add3A_114 = arith.addi %mul3A_113, %mul3A_2 : i32
      %add3A_115 = arith.constant 128 : i32
      %add3A_116 = arith.addi %add3A_114, %add3A_115 : i32
      %dma_start3A_117 = arith.constant 0 : i32
      %dma_start3A_118 = tpu.memref_slice %arg4[%add3A_116, %dma_start3A_117] : memref<819200x128xf32, #tpu.memory_space<hbm>> -> memref<128x128xf32, #tpu.memory_space<hbm>>
      %dma_start3A_119 = arith.constant 0 : i32
      %dma_start3A_120 = tpu.memref_slice %arg4[%add3A_116, %dma_start3A_119] : memref<819200x128xf32, #tpu.memory_space<hbm>> -> memref<128x128xf32, #tpu.memory_space<hbm>>
      tpu.enqueue_dma source(%arg8 : memref<128x128xf32, #tpu.memory_space<vmem>>) target(%dma_start3A_120 : memref<128x128xf32, #tpu.memory_space<hbm>>) target_semaphore(%arg18 : memref<!tpu.dma_semaphore, #tpu.memory_space<semaphore_mem>>)
      %dma_wait3A_121 = arith.constant 256 : i32
      %dma_wait3A_122 = tpu.memref_slice %arg5[%dma_wait3A_121] : memref<512xi32, #tpu.memory_space<vmem>> -> memref<128xi32, #tpu.memory_space<vmem>>
      %dma_wait3A_123 = arith.constant 0 : i32
      %dma_wait3A_124 = arith.constant 0 : i32
      %dma_wait3A_125 = tpu.memref_slice %arg2[%dma_wait3A_123, %dma_wait3A_124] : memref<100000x128xf32, #tpu.memory_space<hbm>> -> memref<100000x128xf32, #tpu.memory_space<hbm>>
      tpu.wait_indirect_dma semaphore(%arg15 : memref<!tpu.dma_semaphore, #tpu.memory_space<semaphore_mem>>) src(%dma_wait3A_125 : memref<100000x128xf32, #tpu.memory_space<hbm>>) dst(%arg9 : memref<128x128xf32, #tpu.memory_space<vmem>>)
      %mul3A_126 = arith.constant 16384 : i32
      %mul3A_127 = arith.muli %mul3A_46, %mul3A_126 : i32
      %add3A_128 = arith.addi %mul3A_127, %mul3A_2 : i32
      %add3A_129 = arith.constant 256 : i32
      %add3A_130 = arith.addi %add3A_128, %add3A_129 : i32
      %dma_start3A_131 = arith.constant 0 : i32
      %dma_start3A_132 = tpu.memref_slice %arg4[%add3A_130, %dma_start3A_131] : memref<819200x128xf32, #tpu.memory_space<hbm>> -> memref<128x128xf32, #tpu.memory_space<hbm>>
      %dma_start3A_133 = arith.constant 0 : i32
      %dma_start3A_134 = tpu.memref_slice %arg4[%add3A_130, %dma_start3A_133] : memref<819200x128xf32, #tpu.memory_space<hbm>> -> memref<128x128xf32, #tpu.memory_space<hbm>>
      tpu.enqueue_dma source(%arg9 : memref<128x128xf32, #tpu.memory_space<vmem>>) target(%dma_start3A_134 : memref<128x128xf32, #tpu.memory_space<hbm>>) target_semaphore(%arg19 : memref<!tpu.dma_semaphore, #tpu.memory_space<semaphore_mem>>)
      %dma_wait3A_135 = arith.constant 384 : i32
      %dma_wait3A_136 = tpu.memref_slice %arg5[%dma_wait3A_135] : memref<512xi32, #tpu.memory_space<vmem>> -> memref<128xi32, #tpu.memory_space<vmem>>
      %dma_wait3A_137 = arith.constant 0 : i32
      %dma_wait3A_138 = arith.constant 0 : i32
      %dma_wait3A_139 = tpu.memref_slice %arg2[%dma_wait3A_137, %dma_wait3A_138] : memref<100000x128xf32, #tpu.memory_space<hbm>> -> memref<100000x128xf32, #tpu.memory_space<hbm>>
      tpu.wait_indirect_dma semaphore(%arg16 : memref<!tpu.dma_semaphore, #tpu.memory_space<semaphore_mem>>) src(%dma_wait3A_139 : memref<100000x128xf32, #tpu.memory_space<hbm>>) dst(%arg10 : memref<128x128xf32, #tpu.memory_space<vmem>>)
      %mul3A_140 = arith.constant 16384 : i32
      %mul3A_141 = arith.muli %mul3A_46, %mul3A_140 : i32
      %add3A_142 = arith.addi %mul3A_141, %mul3A_2 : i32
      %add3A_143 = arith.constant 384 : i32
      %add3A_144 = arith.addi %add3A_142, %add3A_143 : i32
      %dma_start3A_145 = arith.constant 0 : i32
      %dma_start3A_146 = tpu.memref_slice %arg4[%add3A_144, %dma_start3A_145] : memref<819200x128xf32, #tpu.memory_space<hbm>> -> memref<128x128xf32, #tpu.memory_space<hbm>>
      %dma_start3A_147 = arith.constant 0 : i32
      %dma_start3A_148 = tpu.memref_slice %arg4[%add3A_144, %dma_start3A_147] : memref<819200x128xf32, #tpu.memory_space<hbm>> -> memref<128x128xf32, #tpu.memory_space<hbm>>
      tpu.enqueue_dma source(%arg10 : memref<128x128xf32, #tpu.memory_space<vmem>>) target(%dma_start3A_148 : memref<128x128xf32, #tpu.memory_space<hbm>>) target_semaphore(%arg20 : memref<!tpu.dma_semaphore, #tpu.memory_space<semaphore_mem>>)
      %lt3A = arith.constant 24 : i32
      %lt3A_149 = arith.cmpi slt, %scan3A_44, %lt3A : i32
      %convert_element_type3A_150 = arith.extui %lt3A_149 : i1 to i32
      %cond3A_151 = arith.constant 0 : i32
      %cond3A_152 = arith.cmpi ne, %convert_element_type3A_150, %cond3A_151 : i32
      scf.if %cond3A_152 {
        %add3A_259 = arith.constant 2 : i32
        %add3A_260 = arith.addi %mul3A_46, %add3A_259 : i32
        %mul3A_261 = arith.constant 16384 : i32
        %mul3A_262 = arith.muli %add3A_260, %mul3A_261 : i32
        %add3A_263 = arith.addi %mul3A_262, %mul3A_2 : i32
        %dma_start3A_264 = tpu.memref_slice %arg3[%add3A_263] : memref<819200xi32, #tpu.memory_space<hbm>> -> memref<512xi32, #tpu.memory_space<hbm>>
        %dma_start3A_265 = tpu.memref_slice %arg3[%add3A_263] : memref<819200xi32, #tpu.memory_space<hbm>> -> memref<512xi32, #tpu.memory_space<hbm>>
        tpu.enqueue_dma source(%dma_start3A_265 : memref<512xi32, #tpu.memory_space<hbm>>) target(%arg5 : memref<512xi32, #tpu.memory_space<vmem>>) target_semaphore(%arg11 : memref<!tpu.dma_semaphore, #tpu.memory_space<semaphore_mem>>)
      } else {
      }
      %mul3A_153 = arith.constant 16384 : i32
      %mul3A_154 = arith.muli %add3A_50, %mul3A_153 : i32
      %add3A_155 = arith.addi %mul3A_154, %mul3A_2 : i32
      %dma_wait3A_156 = tpu.memref_slice %arg3[%add3A_155] : memref<819200xi32, #tpu.memory_space<hbm>> -> memref<512xi32, #tpu.memory_space<hbm>>
      %dma_wait3A_157 = tpu.memref_slice %arg3[%add3A_155] : memref<819200xi32, #tpu.memory_space<hbm>> -> memref<512xi32, #tpu.memory_space<hbm>>
      tpu.wait_dma2 semaphore(%arg12 : memref<!tpu.dma_semaphore, #tpu.memory_space<semaphore_mem>>) src(%dma_wait3A_157 : memref<512xi32, #tpu.memory_space<hbm>>) dst(%arg6 : memref<512xi32, #tpu.memory_space<vmem>>)
      %gt3A_158 = arith.constant 0 : i32
      %gt3A_159 = arith.cmpi sgt, %add3A_50, %gt3A_158 : i32
      %convert_element_type3A_160 = arith.extui %gt3A_159 : i1 to i32
      %cond3A_161 = arith.constant 0 : i32
      %cond3A_162 = arith.cmpi ne, %convert_element_type3A_160, %cond3A_161 : i32
      scf.if %cond3A_162 {
        %sub3A = arith.constant 1 : i32
        %sub3A_259 = arith.subi %add3A_50, %sub3A : i32
        %mul3A_260 = arith.constant 16384 : i32
        %mul3A_261 = arith.muli %sub3A_259, %mul3A_260 : i32
        %add3A_262 = arith.addi %mul3A_261, %mul3A_2 : i32
        %add3A_263 = arith.constant 0 : i32
        %add3A_264 = arith.addi %add3A_262, %add3A_263 : i32
        %dma_wait3A_265 = arith.constant 0 : i32
        %dma_wait3A_266 = tpu.memref_slice %arg4[%add3A_264, %dma_wait3A_265] : memref<819200x128xf32, #tpu.memory_space<hbm>> -> memref<128x128xf32, #tpu.memory_space<hbm>>
        %dma_wait3A_267 = arith.constant 0 : i32
        %dma_wait3A_268 = tpu.memref_slice %arg4[%add3A_264, %dma_wait3A_267] : memref<819200x128xf32, #tpu.memory_space<hbm>> -> memref<128x128xf32, #tpu.memory_space<hbm>>
        tpu.wait_dma2 semaphore(%arg17 : memref<!tpu.dma_semaphore, #tpu.memory_space<semaphore_mem>>) src(%arg7 : memref<128x128xf32, #tpu.memory_space<vmem>>) dst(%dma_wait3A_268 : memref<128x128xf32, #tpu.memory_space<hbm>>)
      } else {
      }
      %dma_start3A_163 = arith.constant 0 : i32
      %dma_start3A_164 = tpu.memref_slice %arg6[%dma_start3A_163] : memref<512xi32, #tpu.memory_space<vmem>> -> memref<128xi32, #tpu.memory_space<vmem>>
      %dma_start3A_165 = arith.constant 0 : i32
      %dma_start3A_166 = arith.constant 0 : i32
      %dma_start3A_167 = tpu.memref_slice %arg2[%dma_start3A_165, %dma_start3A_166] : memref<100000x128xf32, #tpu.memory_space<hbm>> -> memref<100000x128xf32, #tpu.memory_space<hbm>>
      tpu.enqueue_indirect_dma source(%dma_start3A_167 : memref<100000x128xf32, #tpu.memory_space<hbm>>) target(%arg7 : memref<128x128xf32, #tpu.memory_space<vmem>>) offsets(%dma_start3A_164 : memref<128xi32, #tpu.memory_space<vmem>>) semaphore(%arg13 : memref<!tpu.dma_semaphore, #tpu.memory_space<semaphore_mem>>)
      %gt3A_168 = arith.constant 0 : i32
      %gt3A_169 = arith.cmpi sgt, %add3A_50, %gt3A_168 : i32
      %convert_element_type3A_170 = arith.extui %gt3A_169 : i1 to i32
      %cond3A_171 = arith.constant 0 : i32
      %cond3A_172 = arith.cmpi ne, %convert_element_type3A_170, %cond3A_171 : i32
      scf.if %cond3A_172 {
        %sub3A = arith.constant 1 : i32
        %sub3A_259 = arith.subi %add3A_50, %sub3A : i32
        %mul3A_260 = arith.constant 16384 : i32
        %mul3A_261 = arith.muli %sub3A_259, %mul3A_260 : i32
        %add3A_262 = arith.addi %mul3A_261, %mul3A_2 : i32
        %add3A_263 = arith.constant 128 : i32
        %add3A_264 = arith.addi %add3A_262, %add3A_263 : i32
        %dma_wait3A_265 = arith.constant 0 : i32
        %dma_wait3A_266 = tpu.memref_slice %arg4[%add3A_264, %dma_wait3A_265] : memref<819200x128xf32, #tpu.memory_space<hbm>> -> memref<128x128xf32, #tpu.memory_space<hbm>>
        %dma_wait3A_267 = arith.constant 0 : i32
        %dma_wait3A_268 = tpu.memref_slice %arg4[%add3A_264, %dma_wait3A_267] : memref<819200x128xf32, #tpu.memory_space<hbm>> -> memref<128x128xf32, #tpu.memory_space<hbm>>
        tpu.wait_dma2 semaphore(%arg18 : memref<!tpu.dma_semaphore, #tpu.memory_space<semaphore_mem>>) src(%arg8 : memref<128x128xf32, #tpu.memory_space<vmem>>) dst(%dma_wait3A_268 : memref<128x128xf32, #tpu.memory_space<hbm>>)
      } else {
      }
      %dma_start3A_173 = arith.constant 128 : i32
      %dma_start3A_174 = tpu.memref_slice %arg6[%dma_start3A_173] : memref<512xi32, #tpu.memory_space<vmem>> -> memref<128xi32, #tpu.memory_space<vmem>>
      %dma_start3A_175 = arith.constant 0 : i32
      %dma_start3A_176 = arith.constant 0 : i32
      %dma_start3A_177 = tpu.memref_slice %arg2[%dma_start3A_175, %dma_start3A_176] : memref<100000x128xf32, #tpu.memory_space<hbm>> -> memref<100000x128xf32, #tpu.memory_space<hbm>>
      tpu.enqueue_indirect_dma source(%dma_start3A_177 : memref<100000x128xf32, #tpu.memory_space<hbm>>) target(%arg8 : memref<128x128xf32, #tpu.memory_space<vmem>>) offsets(%dma_start3A_174 : memref<128xi32, #tpu.memory_space<vmem>>) semaphore(%arg14 : memref<!tpu.dma_semaphore, #tpu.memory_space<semaphore_mem>>)
      %gt3A_178 = arith.constant 0 : i32
      %gt3A_179 = arith.cmpi sgt, %add3A_50, %gt3A_178 : i32
      %convert_element_type3A_180 = arith.extui %gt3A_179 : i1 to i32
      %cond3A_181 = arith.constant 0 : i32
      %cond3A_182 = arith.cmpi ne, %convert_element_type3A_180, %cond3A_181 : i32
      scf.if %cond3A_182 {
        %sub3A = arith.constant 1 : i32
        %sub3A_259 = arith.subi %add3A_50, %sub3A : i32
        %mul3A_260 = arith.constant 16384 : i32
        %mul3A_261 = arith.muli %sub3A_259, %mul3A_260 : i32
        %add3A_262 = arith.addi %mul3A_261, %mul3A_2 : i32
        %add3A_263 = arith.constant 256 : i32
        %add3A_264 = arith.addi %add3A_262, %add3A_263 : i32
        %dma_wait3A_265 = arith.constant 0 : i32
        %dma_wait3A_266 = tpu.memref_slice %arg4[%add3A_264, %dma_wait3A_265] : memref<819200x128xf32, #tpu.memory_space<hbm>> -> memref<128x128xf32, #tpu.memory_space<hbm>>
        %dma_wait3A_267 = arith.constant 0 : i32
        %dma_wait3A_268 = tpu.memref_slice %arg4[%add3A_264, %dma_wait3A_267] : memref<819200x128xf32, #tpu.memory_space<hbm>> -> memref<128x128xf32, #tpu.memory_space<hbm>>
        tpu.wait_dma2 semaphore(%arg19 : memref<!tpu.dma_semaphore, #tpu.memory_space<semaphore_mem>>) src(%arg9 : memref<128x128xf32, #tpu.memory_space<vmem>>) dst(%dma_wait3A_268 : memref<128x128xf32, #tpu.memory_space<hbm>>)
      } else {
      }
      %dma_start3A_183 = arith.constant 256 : i32
      %dma_start3A_184 = tpu.memref_slice %arg6[%dma_start3A_183] : memref<512xi32, #tpu.memory_space<vmem>> -> memref<128xi32, #tpu.memory_space<vmem>>
      %dma_start3A_185 = arith.constant 0 : i32
      %dma_start3A_186 = arith.constant 0 : i32
      %dma_start3A_187 = tpu.memref_slice %arg2[%dma_start3A_185, %dma_start3A_186] : memref<100000x128xf32, #tpu.memory_space<hbm>> -> memref<100000x128xf32, #tpu.memory_space<hbm>>
      tpu.enqueue_indirect_dma source(%dma_start3A_187 : memref<100000x128xf32, #tpu.memory_space<hbm>>) target(%arg9 : memref<128x128xf32, #tpu.memory_space<vmem>>) offsets(%dma_start3A_184 : memref<128xi32, #tpu.memory_space<vmem>>) semaphore(%arg15 : memref<!tpu.dma_semaphore, #tpu.memory_space<semaphore_mem>>)
      %gt3A_188 = arith.constant 0 : i32
      %gt3A_189 = arith.cmpi sgt, %add3A_50, %gt3A_188 : i32
      %convert_element_type3A_190 = arith.extui %gt3A_189 : i1 to i32
      %cond3A_191 = arith.constant 0 : i32
      %cond3A_192 = arith.cmpi ne, %convert_element_type3A_190, %cond3A_191 : i32
      scf.if %cond3A_192 {
        %sub3A = arith.constant 1 : i32
        %sub3A_259 = arith.subi %add3A_50, %sub3A : i32
        %mul3A_260 = arith.constant 16384 : i32
        %mul3A_261 = arith.muli %sub3A_259, %mul3A_260 : i32
        %add3A_262 = arith.addi %mul3A_261, %mul3A_2 : i32
        %add3A_263 = arith.constant 384 : i32
        %add3A_264 = arith.addi %add3A_262, %add3A_263 : i32
        %dma_wait3A_265 = arith.constant 0 : i32
        %dma_wait3A_266 = tpu.memref_slice %arg4[%add3A_264, %dma_wait3A_265] : memref<819200x128xf32, #tpu.memory_space<hbm>> -> memref<128x128xf32, #tpu.memory_space<hbm>>
        %dma_wait3A_267 = arith.constant 0 : i32
        %dma_wait3A_268 = tpu.memref_slice %arg4[%add3A_264, %dma_wait3A_267] : memref<819200x128xf32, #tpu.memory_space<hbm>> -> memref<128x128xf32, #tpu.memory_space<hbm>>
        tpu.wait_dma2 semaphore(%arg20 : memref<!tpu.dma_semaphore, #tpu.memory_space<semaphore_mem>>) src(%arg10 : memref<128x128xf32, #tpu.memory_space<vmem>>) dst(%dma_wait3A_268 : memref<128x128xf32, #tpu.memory_space<hbm>>)
      } else {
      }
      %dma_start3A_193 = arith.constant 384 : i32
      %dma_start3A_194 = tpu.memref_slice %arg6[%dma_start3A_193] : memref<512xi32, #tpu.memory_space<vmem>> -> memref<128xi32, #tpu.memory_space<vmem>>
      %dma_start3A_195 = arith.constant 0 : i32
      %dma_start3A_196 = arith.constant 0 : i32
      %dma_start3A_197 = tpu.memref_slice %arg2[%dma_start3A_195, %dma_start3A_196] : memref<100000x128xf32, #tpu.memory_space<hbm>> -> memref<100000x128xf32, #tpu.memory_space<hbm>>
      tpu.enqueue_indirect_dma source(%dma_start3A_197 : memref<100000x128xf32, #tpu.memory_space<hbm>>) target(%arg10 : memref<128x128xf32, #tpu.memory_space<vmem>>) offsets(%dma_start3A_194 : memref<128xi32, #tpu.memory_space<vmem>>) semaphore(%arg16 : memref<!tpu.dma_semaphore, #tpu.memory_space<semaphore_mem>>)
      %dma_wait3A_198 = arith.constant 0 : i32
      %dma_wait3A_199 = tpu.memref_slice %arg6[%dma_wait3A_198] : memref<512xi32, #tpu.memory_space<vmem>> -> memref<128xi32, #tpu.memory_space<vmem>>
      %dma_wait3A_200 = arith.constant 0 : i32
      %dma_wait3A_201 = arith.constant 0 : i32
      %dma_wait3A_202 = tpu.memref_slice %arg2[%dma_wait3A_200, %dma_wait3A_201] : memref<100000x128xf32, #tpu.memory_space<hbm>> -> memref<100000x128xf32, #tpu.memory_space<hbm>>
      tpu.wait_indirect_dma semaphore(%arg13 : memref<!tpu.dma_semaphore, #tpu.memory_space<semaphore_mem>>) src(%dma_wait3A_202 : memref<100000x128xf32, #tpu.memory_space<hbm>>) dst(%arg7 : memref<128x128xf32, #tpu.memory_space<vmem>>)
      %mul3A_203 = arith.constant 16384 : i32
      %mul3A_204 = arith.muli %add3A_50, %mul3A_203 : i32
      %add3A_205 = arith.addi %mul3A_204, %mul3A_2 : i32
      %add3A_206 = arith.constant 0 : i32
      %add3A_207 = arith.addi %add3A_205, %add3A_206 : i32
      %dma_start3A_208 = arith.constant 0 : i32
      %dma_start3A_209 = tpu.memref_slice %arg4[%add3A_207, %dma_start3A_208] : memref<819200x128xf32, #tpu.memory_space<hbm>> -> memref<128x128xf32, #tpu.memory_space<hbm>>
      %dma_start3A_210 = arith.constant 0 : i32
      %dma_start3A_211 = tpu.memref_slice %arg4[%add3A_207, %dma_start3A_210] : memref<819200x128xf32, #tpu.memory_space<hbm>> -> memref<128x128xf32, #tpu.memory_space<hbm>>
      tpu.enqueue_dma source(%arg7 : memref<128x128xf32, #tpu.memory_space<vmem>>) target(%dma_start3A_211 : memref<128x128xf32, #tpu.memory_space<hbm>>) target_semaphore(%arg17 : memref<!tpu.dma_semaphore, #tpu.memory_space<semaphore_mem>>)
      %dma_wait3A_212 = arith.constant 128 : i32
      %dma_wait3A_213 = tpu.memref_slice %arg6[%dma_wait3A_212] : memref<512xi32, #tpu.memory_space<vmem>> -> memref<128xi32, #tpu.memory_space<vmem>>
      %dma_wait3A_214 = arith.constant 0 : i32
      %dma_wait3A_215 = arith.constant 0 : i32
      %dma_wait3A_216 = tpu.memref_slice %arg2[%dma_wait3A_214, %dma_wait3A_215] : memref<100000x128xf32, #tpu.memory_space<hbm>> -> memref<100000x128xf32, #tpu.memory_space<hbm>>
      tpu.wait_indirect_dma semaphore(%arg14 : memref<!tpu.dma_semaphore, #tpu.memory_space<semaphore_mem>>) src(%dma_wait3A_216 : memref<100000x128xf32, #tpu.memory_space<hbm>>) dst(%arg8 : memref<128x128xf32, #tpu.memory_space<vmem>>)
      %mul3A_217 = arith.constant 16384 : i32
      %mul3A_218 = arith.muli %add3A_50, %mul3A_217 : i32
      %add3A_219 = arith.addi %mul3A_218, %mul3A_2 : i32
      %add3A_220 = arith.constant 128 : i32
      %add3A_221 = arith.addi %add3A_219, %add3A_220 : i32
      %dma_start3A_222 = arith.constant 0 : i32
      %dma_start3A_223 = tpu.memref_slice %arg4[%add3A_221, %dma_start3A_222] : memref<819200x128xf32, #tpu.memory_space<hbm>> -> memref<128x128xf32, #tpu.memory_space<hbm>>
      %dma_start3A_224 = arith.constant 0 : i32
      %dma_start3A_225 = tpu.memref_slice %arg4[%add3A_221, %dma_start3A_224] : memref<819200x128xf32, #tpu.memory_space<hbm>> -> memref<128x128xf32, #tpu.memory_space<hbm>>
      tpu.enqueue_dma source(%arg8 : memref<128x128xf32, #tpu.memory_space<vmem>>) target(%dma_start3A_225 : memref<128x128xf32, #tpu.memory_space<hbm>>) target_semaphore(%arg18 : memref<!tpu.dma_semaphore, #tpu.memory_space<semaphore_mem>>)
      %dma_wait3A_226 = arith.constant 256 : i32
      %dma_wait3A_227 = tpu.memref_slice %arg6[%dma_wait3A_226] : memref<512xi32, #tpu.memory_space<vmem>> -> memref<128xi32, #tpu.memory_space<vmem>>
      %dma_wait3A_228 = arith.constant 0 : i32
      %dma_wait3A_229 = arith.constant 0 : i32
      %dma_wait3A_230 = tpu.memref_slice %arg2[%dma_wait3A_228, %dma_wait3A_229] : memref<100000x128xf32, #tpu.memory_space<hbm>> -> memref<100000x128xf32, #tpu.memory_space<hbm>>
      tpu.wait_indirect_dma semaphore(%arg15 : memref<!tpu.dma_semaphore, #tpu.memory_space<semaphore_mem>>) src(%dma_wait3A_230 : memref<100000x128xf32, #tpu.memory_space<hbm>>) dst(%arg9 : memref<128x128xf32, #tpu.memory_space<vmem>>)
      %mul3A_231 = arith.constant 16384 : i32
      %mul3A_232 = arith.muli %add3A_50, %mul3A_231 : i32
      %add3A_233 = arith.addi %mul3A_232, %mul3A_2 : i32
      %add3A_234 = arith.constant 256 : i32
      %add3A_235 = arith.addi %add3A_233, %add3A_234 : i32
      %dma_start3A_236 = arith.constant 0 : i32
      %dma_start3A_237 = tpu.memref_slice %arg4[%add3A_235, %dma_start3A_236] : memref<819200x128xf32, #tpu.memory_space<hbm>> -> memref<128x128xf32, #tpu.memory_space<hbm>>
      %dma_start3A_238 = arith.constant 0 : i32
      %dma_start3A_239 = tpu.memref_slice %arg4[%add3A_235, %dma_start3A_238] : memref<819200x128xf32, #tpu.memory_space<hbm>> -> memref<128x128xf32, #tpu.memory_space<hbm>>
      tpu.enqueue_dma source(%arg9 : memref<128x128xf32, #tpu.memory_space<vmem>>) target(%dma_start3A_239 : memref<128x128xf32, #tpu.memory_space<hbm>>) target_semaphore(%arg19 : memref<!tpu.dma_semaphore, #tpu.memory_space<semaphore_mem>>)
      %dma_wait3A_240 = arith.constant 384 : i32
      %dma_wait3A_241 = tpu.memref_slice %arg6[%dma_wait3A_240] : memref<512xi32, #tpu.memory_space<vmem>> -> memref<128xi32, #tpu.memory_space<vmem>>
      %dma_wait3A_242 = arith.constant 0 : i32
      %dma_wait3A_243 = arith.constant 0 : i32
      %dma_wait3A_244 = tpu.memref_slice %arg2[%dma_wait3A_242, %dma_wait3A_243] : memref<100000x128xf32, #tpu.memory_space<hbm>> -> memref<100000x128xf32, #tpu.memory_space<hbm>>
      tpu.wait_indirect_dma semaphore(%arg16 : memref<!tpu.dma_semaphore, #tpu.memory_space<semaphore_mem>>) src(%dma_wait3A_244 : memref<100000x128xf32, #tpu.memory_space<hbm>>) dst(%arg10 : memref<128x128xf32, #tpu.memory_space<vmem>>)
      %mul3A_245 = arith.constant 16384 : i32
      %mul3A_246 = arith.muli %add3A_50, %mul3A_245 : i32
      %add3A_247 = arith.addi %mul3A_246, %mul3A_2 : i32
      %add3A_248 = arith.constant 384 : i32
      %add3A_249 = arith.addi %add3A_247, %add3A_248 : i32
      %dma_start3A_250 = arith.constant 0 : i32
      %dma_start3A_251 = tpu.memref_slice %arg4[%add3A_249, %dma_start3A_250] : memref<819200x128xf32, #tpu.memory_space<hbm>> -> memref<128x128xf32, #tpu.memory_space<hbm>>
      %dma_start3A_252 = arith.constant 0 : i32
      %dma_start3A_253 = tpu.memref_slice %arg4[%add3A_249, %dma_start3A_252] : memref<819200x128xf32, #tpu.memory_space<hbm>> -> memref<128x128xf32, #tpu.memory_space<hbm>>
      tpu.enqueue_dma source(%arg10 : memref<128x128xf32, #tpu.memory_space<vmem>>) target(%dma_start3A_253 : memref<128x128xf32, #tpu.memory_space<hbm>>) target_semaphore(%arg20 : memref<!tpu.dma_semaphore, #tpu.memory_space<semaphore_mem>>)
      %lt3A_254 = arith.constant 24 : i32
      %lt3A_255 = arith.cmpi slt, %scan3A_44, %lt3A_254 : i32
      %convert_element_type3A_256 = arith.extui %lt3A_255 : i1 to i32
      %cond3A_257 = arith.constant 0 : i32
      %cond3A_258 = arith.cmpi ne, %convert_element_type3A_256, %cond3A_257 : i32
      scf.if %cond3A_258 {
        %add3A_259 = arith.constant 2 : i32
        %add3A_260 = arith.addi %add3A_50, %add3A_259 : i32
        %mul3A_261 = arith.constant 16384 : i32
        %mul3A_262 = arith.muli %add3A_260, %mul3A_261 : i32
        %add3A_263 = arith.addi %mul3A_262, %mul3A_2 : i32
        %dma_start3A_264 = tpu.memref_slice %arg3[%add3A_263] : memref<819200xi32, #tpu.memory_space<hbm>> -> memref<512xi32, #tpu.memory_space<hbm>>
        %dma_start3A_265 = tpu.memref_slice %arg3[%add3A_263] : memref<819200xi32, #tpu.memory_space<hbm>> -> memref<512xi32, #tpu.memory_space<hbm>>
        tpu.enqueue_dma source(%dma_start3A_265 : memref<512xi32, #tpu.memory_space<hbm>>) target(%arg6 : memref<512xi32, #tpu.memory_space<vmem>>) target_semaphore(%arg12 : memref<!tpu.dma_semaphore, #tpu.memory_space<semaphore_mem>>)
      } else {
      }
    }
    %scan3A_12 = arith.constant 25 : i32
    %add3A_13 = arith.constant 802816 : i32
    %add3A_14 = arith.addi %add3A_13, %mul3A_2 : i32
    %add3A_15 = arith.constant 0 : i32
    %add3A_16 = arith.addi %add3A_14, %add3A_15 : i32
    %dma_wait3A = arith.constant 0 : i32
    %dma_wait3A_17 = tpu.memref_slice %arg4[%add3A_16, %dma_wait3A] : memref<819200x128xf32, #tpu.memory_space<hbm>> -> memref<128x128xf32, #tpu.memory_space<hbm>>
    %dma_wait3A_18 = arith.constant 0 : i32
    %dma_wait3A_19 = tpu.memref_slice %arg4[%add3A_16, %dma_wait3A_18] : memref<819200x128xf32, #tpu.memory_space<hbm>> -> memref<128x128xf32, #tpu.memory_space<hbm>>
    tpu.wait_dma2 semaphore(%arg17 : memref<!tpu.dma_semaphore, #tpu.memory_space<semaphore_mem>>) src(%arg7 : memref<128x128xf32, #tpu.memory_space<vmem>>) dst(%dma_wait3A_19 : memref<128x128xf32, #tpu.memory_space<hbm>>)
    %add3A_20 = arith.constant 802816 : i32
    %add3A_21 = arith.addi %add3A_20, %mul3A_2 : i32
    %add3A_22 = arith.constant 128 : i32
    %add3A_23 = arith.addi %add3A_21, %add3A_22 : i32
    %dma_wait3A_24 = arith.constant 0 : i32
    %dma_wait3A_25 = tpu.memref_slice %arg4[%add3A_23, %dma_wait3A_24] : memref<819200x128xf32, #tpu.memory_space<hbm>> -> memref<128x128xf32, #tpu.memory_space<hbm>>
    %dma_wait3A_26 = arith.constant 0 : i32
    %dma_wait3A_27 = tpu.memref_slice %arg4[%add3A_23, %dma_wait3A_26] : memref<819200x128xf32, #tpu.memory_space<hbm>> -> memref<128x128xf32, #tpu.memory_space<hbm>>
    tpu.wait_dma2 semaphore(%arg18 : memref<!tpu.dma_semaphore, #tpu.memory_space<semaphore_mem>>) src(%arg8 : memref<128x128xf32, #tpu.memory_space<vmem>>) dst(%dma_wait3A_27 : memref<128x128xf32, #tpu.memory_space<hbm>>)
    %add3A_28 = arith.constant 802816 : i32
    %add3A_29 = arith.addi %add3A_28, %mul3A_2 : i32
    %add3A_30 = arith.constant 256 : i32
    %add3A_31 = arith.addi %add3A_29, %add3A_30 : i32
    %dma_wait3A_32 = arith.constant 0 : i32
    %dma_wait3A_33 = tpu.memref_slice %arg4[%add3A_31, %dma_wait3A_32] : memref<819200x128xf32, #tpu.memory_space<hbm>> -> memref<128x128xf32, #tpu.memory_space<hbm>>
    %dma_wait3A_34 = arith.constant 0 : i32
    %dma_wait3A_35 = tpu.memref_slice %arg4[%add3A_31, %dma_wait3A_34] : memref<819200x128xf32, #tpu.memory_space<hbm>> -> memref<128x128xf32, #tpu.memory_space<hbm>>
    tpu.wait_dma2 semaphore(%arg19 : memref<!tpu.dma_semaphore, #tpu.memory_space<semaphore_mem>>) src(%arg9 : memref<128x128xf32, #tpu.memory_space<vmem>>) dst(%dma_wait3A_35 : memref<128x128xf32, #tpu.memory_space<hbm>>)
    %add3A_36 = arith.constant 802816 : i32
    %add3A_37 = arith.addi %add3A_36, %mul3A_2 : i32
    %add3A_38 = arith.constant 384 : i32
    %add3A_39 = arith.addi %add3A_37, %add3A_38 : i32
    %dma_wait3A_40 = arith.constant 0 : i32
    %dma_wait3A_41 = tpu.memref_slice %arg4[%add3A_39, %dma_wait3A_40] : memref<819200x128xf32, #tpu.memory_space<hbm>> -> memref<128x128xf32, #tpu.memory_space<hbm>>
    %dma_wait3A_42 = arith.constant 0 : i32
    %dma_wait3A_43 = tpu.memref_slice %arg4[%add3A_39, %dma_wait3A_42] : memref<819200x128xf32, #tpu.memory_space<hbm>> -> memref<128x128xf32, #tpu.memory_space<hbm>>
    tpu.wait_dma2 semaphore(%arg20 : memref<!tpu.dma_semaphore, #tpu.memory_space<semaphore_mem>>) src(%arg10 : memref<128x128xf32, #tpu.memory_space<vmem>>) dst(%dma_wait3A_43 : memref<128x128xf32, #tpu.memory_space<hbm>>)
    return
  }
}

module attributes {stable_mosaic.version = 14 : i64} {
  func.func @_table_body(%arg0: i32, %arg1: memref<4000x128xf32, #tpu.memory_space<vmem>>) attributes {dimension_semantics = [#tpu.dimension_semantics<arbitrary>], iteration_bounds = array<i64: 25>, scalar_prefetch = 0 : i64, scratch_operands = 0 : i64, tpu.core_type = #tpu.core_type<tc>, window_params = [{transform_indices = @transform_0, window_bounds = array<i64: 4000, 128>}]} {
    %iota3A = tpu.iota {dimensions = array<i32: 0>} : vector<4000x128xi32>
    %mul3A = arith.constant 4000 : i32
    %mul3A_0 = arith.muli %arg0, %mul3A : i32
    %add3A = vector.broadcast %mul3A_0 : i32 to vector<4000x128xi32>
    %add3A_1 = arith.addi %iota3A, %add3A : vector<4000x128xi32>
    %convert_element_type3A = arith.sitofp %add3A_1 : vector<4000x128xi32> to vector<4000x128xf32>
    %mul3A_2 = arith.constant 9.99999974E-5 : f32
    %mul3A_3 = vector.broadcast %mul3A_2 : f32 to vector<4000x128xf32>
    %mul3A_4 = arith.mulf %convert_element_type3A, %mul3A_3 : vector<4000x128xf32>
    %iota3A_5 = tpu.iota {dimensions = array<i32: 1>} : vector<4000x128xi32>
    %jit3A = arith.constant 2 : i32
    %div3A = vector.broadcast %jit3A : i32 to vector<4000x128xi32>
    %div3A_6 = arith.divsi %iota3A_5, %div3A : vector<4000x128xi32>
    %sign3A = arith.constant 0 : i32
    %sign3A_7 = vector.broadcast %sign3A : i32 to vector<4000x128xi32>
    %sign3A_8 = arith.cmpi sgt, %iota3A_5, %sign3A_7 : vector<4000x128xi32>
    %sign3A_9 = arith.extui %sign3A_8 : vector<4000x128xi1> to vector<4000x128xi32>
    %sign3A_10 = arith.constant 0 : i32
    %sign3A_11 = vector.broadcast %sign3A_10 : i32 to vector<4000x128xi32>
    %sign3A_12 = arith.cmpi slt, %iota3A_5, %sign3A_11 : vector<4000x128xi32>
    %sign3A_13 = arith.extui %sign3A_12 : vector<4000x128xi1> to vector<4000x128xi32>
    %sign3A_14 = arith.subi %sign3A_9, %sign3A_13 : vector<4000x128xi32>
    %sign3A_15 = arith.constant 0 : i32
    %sign3A_16 = arith.cmpi sgt, %jit3A, %sign3A_15 : i32
    %sign3A_17 = arith.extui %sign3A_16 : i1 to i32
    %sign3A_18 = arith.constant 0 : i32
    %sign3A_19 = arith.cmpi slt, %jit3A, %sign3A_18 : i32
    %sign3A_20 = arith.extui %sign3A_19 : i1 to i32
    %sign3A_21 = arith.subi %sign3A_17, %sign3A_20 : i32
    %ne3A = vector.broadcast %sign3A_21 : i32 to vector<4000x128xi32>
    %ne3A_22 = arith.cmpi ne, %sign3A_14, %ne3A : vector<4000x128xi32>
    %rem3A = vector.broadcast %jit3A : i32 to vector<4000x128xi32>
    %rem3A_23 = arith.remsi %iota3A_5, %rem3A : vector<4000x128xi32>
    %ne3A_24 = arith.constant 0 : i32
    %ne3A_25 = vector.broadcast %ne3A_24 : i32 to vector<4000x128xi32>
    %ne3A_26 = arith.cmpi ne, %rem3A_23, %ne3A_25 : vector<4000x128xi32>
    %and3A = arith.andi %ne3A_22, %ne3A_26 : vector<4000x128xi1>
    %sub3A = arith.constant 1 : i32
    %sub3A_27 = vector.broadcast %sub3A : i32 to vector<4000x128xi32>
    %sub3A_28 = arith.subi %div3A_6, %sub3A_27 : vector<4000x128xi32>
    %select_n3A = arith.select %and3A, %sub3A_28, %div3A_6 : vector<4000x128xi1>, vector<4000x128xi32>
    %convert_element_type3A_29 = arith.sitofp %select_n3A : vector<4000x128xi32> to vector<4000x128xf32>
    %mul3A_30 = arith.constant 7.812500e-03 : f32
    %mul3A_31 = vector.broadcast %mul3A_30 : f32 to vector<4000x128xf32>
    %mul3A_32 = arith.mulf %convert_element_type3A_29, %mul3A_31 : vector<4000x128xf32>
    %eq3A = arith.constant 0 : i32
    %eq3A_33 = vector.broadcast %eq3A : i32 to vector<4000x128xi32>
    %eq3A_34 = arith.cmpi eq, %select_n3A, %eq3A_33 : vector<4000x128xi32>
    %log3A = math.log %mul3A_4 : vector<4000x128xf32>
    %log3A_35 = arith.constant 2.000000e+00 : f32
    %log3A_36 = math.log %log3A_35 : f32
    %div3A_37 = vector.broadcast %log3A_36 : f32 to vector<4000x128xf32>
    %div3A_38 = arith.divf %log3A, %div3A_37 : vector<4000x128xf32>
    %mul3A_39 = arith.mulf %mul3A_32, %div3A_38 : vector<4000x128xf32>
    %exp23A = math.exp2 %mul3A_39 : vector<4000x128xf32>
    %jit3A_40 = arith.constant 1.000000e+00 : f32
    %broadcast_in_dim3A = vector.broadcast %jit3A_40 : f32 to vector<4000x128xf32>
    %select_n3A_41 = arith.select %eq3A_34, %broadcast_in_dim3A, %exp23A : vector<4000x128xi1>, vector<4000x128xf32>
    %jit3A_42 = arith.constant 2 : i32
    %eq3A_43 = arith.constant 0 : i32
    %eq3A_44 = arith.cmpi eq, %jit3A_42, %eq3A_43 : i32
    %jit3A_45 = arith.constant 1 : i32
    %select_n3A_46 = arith.select %eq3A_44, %jit3A_45, %jit3A_42 : i32
    %rem3A_47 = vector.broadcast %select_n3A_46 : i32 to vector<4000x128xi32>
    %rem3A_48 = arith.remsi %iota3A_5, %rem3A_47 : vector<4000x128xi32>
    %ne3A_49 = arith.constant 0 : i32
    %ne3A_50 = vector.broadcast %ne3A_49 : i32 to vector<4000x128xi32>
    %ne3A_51 = arith.cmpi ne, %rem3A_48, %ne3A_50 : vector<4000x128xi32>
    %lt3A = arith.constant 0 : i32
    %lt3A_52 = vector.broadcast %lt3A : i32 to vector<4000x128xi32>
    %lt3A_53 = arith.cmpi slt, %rem3A_48, %lt3A_52 : vector<4000x128xi32>
    %lt3A_54 = arith.constant 0 : i32
    %lt3A_55 = arith.cmpi slt, %select_n3A_46, %lt3A_54 : i32
    %ne3A_56 = vector.broadcast %lt3A_55 : i1 to vector<4000x128xi1>
    %ne3A_57 = vector.broadcast %ne3A_56 : vector<4000x128xi1> to vector<4000x128xi1>
    %ne3A_58 = arith.xori %lt3A_53, %ne3A_57 : vector<4000x128xi1>
    %and3A_59 = arith.andi %ne3A_58, %ne3A_51 : vector<4000x128xi1>
    %add3A_60 = vector.broadcast %select_n3A_46 : i32 to vector<4000x128xi32>
    %add3A_61 = arith.addi %rem3A_48, %add3A_60 : vector<4000x128xi32>
    %select_n3A_62 = arith.select %and3A_59, %add3A_61, %rem3A_48 : vector<4000x128xi1>, vector<4000x128xi32>
    %eq3A_63 = arith.constant 0 : i32
    %eq3A_64 = vector.broadcast %eq3A_63 : i32 to vector<4000x128xi32>
    %eq3A_65 = arith.cmpi eq, %select_n3A_62, %eq3A_64 : vector<4000x128xi32>
    %jit3A_66 = arith.constant 0.000000e+00 : f32
    %jit3A_67 = arith.constant 1.57079637 : f32
    %broadcast_in_dim3A_68 = vector.broadcast %jit3A_66 : f32 to vector<4000x128xf32>
    %broadcast_in_dim3A_69 = vector.broadcast %jit3A_67 : f32 to vector<4000x128xf32>
    %select_n3A_70 = arith.select %eq3A_65, %broadcast_in_dim3A_68, %broadcast_in_dim3A_69 : vector<4000x128xi1>, vector<4000x128xf32>
    %add3A_71 = arith.addf %select_n3A_41, %select_n3A_70 : vector<4000x128xf32>
    %gt3A = arith.constant 3.14159274 : f32
    %gt3A_72 = vector.broadcast %gt3A : f32 to vector<4000x128xf32>
    %gt3A_73 = arith.cmpf ogt, %add3A_71, %gt3A_72 : vector<4000x128xf32>
    %jit3A_74 = arith.constant -1.000000e+00 : f32
    %jit3A_75 = arith.constant 1.000000e+00 : f32
    %broadcast_in_dim3A_76 = vector.broadcast %jit3A_74 : f32 to vector<4000x128xf32>
    %broadcast_in_dim3A_77 = vector.broadcast %jit3A_75 : f32 to vector<4000x128xf32>
    %select_n3A_78 = arith.select %gt3A_73, %broadcast_in_dim3A_76, %broadcast_in_dim3A_77 : vector<4000x128xi1>, vector<4000x128xf32>
    %gt3A_79 = arith.constant 3.14159274 : f32
    %gt3A_80 = vector.broadcast %gt3A_79 : f32 to vector<4000x128xf32>
    %gt3A_81 = arith.cmpf ogt, %add3A_71, %gt3A_80 : vector<4000x128xf32>
    %sub3A_82 = arith.constant 3.14159274 : f32
    %sub3A_83 = vector.broadcast %sub3A_82 : f32 to vector<4000x128xf32>
    %sub3A_84 = arith.subf %add3A_71, %sub3A_83 : vector<4000x128xf32>
    %select_n3A_85 = arith.select %gt3A_81, %sub3A_84, %add3A_71 : vector<4000x128xi1>, vector<4000x128xf32>
    %gt3A_86 = arith.constant 1.57079637 : f32
    %gt3A_87 = vector.broadcast %gt3A_86 : f32 to vector<4000x128xf32>
    %gt3A_88 = arith.cmpf ogt, %select_n3A_85, %gt3A_87 : vector<4000x128xf32>
    %sub3A_89 = arith.constant 3.14159274 : f32
    %sub3A_90 = vector.broadcast %sub3A_89 : f32 to vector<4000x128xf32>
    %sub3A_91 = arith.subf %sub3A_90, %select_n3A_85 : vector<4000x128xf32>
    %select_n3A_92 = arith.select %gt3A_88, %sub3A_91, %select_n3A_85 : vector<4000x128xi1>, vector<4000x128xf32>
    %mul3A_93 = arith.mulf %select_n3A_92, %select_n3A_92 : vector<4000x128xf32>
    %mul3A_94 = arith.constant 2.75573188E-6 : f32
    %mul3A_95 = vector.broadcast %mul3A_94 : f32 to vector<4000x128xf32>
    %mul3A_96 = arith.mulf %mul3A_95, %mul3A_93 : vector<4000x128xf32>
    %add3A_97 = arith.constant -1.98412701E-4 : f32
    %add3A_98 = vector.broadcast %add3A_97 : f32 to vector<4000x128xf32>
    %add3A_99 = arith.addf %mul3A_96, %add3A_98 : vector<4000x128xf32>
    %mul3A_100 = arith.mulf %add3A_99, %mul3A_93 : vector<4000x128xf32>
    %add3A_101 = arith.constant 0.00833333377 : f32
    %add3A_102 = vector.broadcast %add3A_101 : f32 to vector<4000x128xf32>
    %add3A_103 = arith.addf %mul3A_100, %add3A_102 : vector<4000x128xf32>
    %mul3A_104 = arith.mulf %add3A_103, %mul3A_93 : vector<4000x128xf32>
    %add3A_105 = arith.constant -0.166666672 : f32
    %add3A_106 = vector.broadcast %add3A_105 : f32 to vector<4000x128xf32>
    %add3A_107 = arith.addf %mul3A_104, %add3A_106 : vector<4000x128xf32>
    %mul3A_108 = arith.mulf %add3A_107, %mul3A_93 : vector<4000x128xf32>
    %add3A_109 = arith.constant 1.000000e+00 : f32
    %add3A_110 = vector.broadcast %add3A_109 : f32 to vector<4000x128xf32>
    %add3A_111 = arith.addf %mul3A_108, %add3A_110 : vector<4000x128xf32>
    %mul3A_112 = arith.mulf %select_n3A_78, %select_n3A_92 : vector<4000x128xf32>
    %mul3A_113 = arith.mulf %mul3A_112, %add3A_111 : vector<4000x128xf32>
    %swap3A = arith.constant 0 : index
    %swap3A_114 = arith.constant 0 : index
    %swap3A_115 = vector.load %arg1[%swap3A, %swap3A_114] : memref<4000x128xf32, #tpu.memory_space<vmem>>, vector<4000x128xf32>
    tpu.vector_store %arg1[%swap3A, %swap3A_114], %mul3A_113 {strides = array<i32>} : memref<4000x128xf32, #tpu.memory_space<vmem>>, vector<4000x128xf32>,
    return
  }
  func.func @transform_0(%arg0: i32) -> (i32, i32) {
    %c0_i32 = arith.constant 0 : i32
    %c0_i32_0 = arith.constant 0 : i32
    return %arg0, %c0_i32 : i32, i32
  }
}

</mosaic_0001>

<sc_bundles>
// kernel: kernel.4.cloned.1.call-start
scs
__scs_entry_jumppad:
0x0: {  	(pc) =	sbr.rel $0x88, $3  }
0x1: {  	(tag) =	ssettag $0x0;
	lr =	simm.s32 $0x1  }
0x2: {  	[smem:$0x3FA0] =	sst lr;
	_ =	strace $0xD0000000  }
0x3: {  	_ = 	snop  }
0x4: {  	_ = 	snop  }
0x5: {  	_ = 	snop  }
0x6: {  	_ = 	snop  }
0x7: {  	_ = 	snop  }
__scs_overlays_trampoline_lowered:
0x8: {  	[smem:$0x3FAF] =	sst s0  }
0x9: {  	[smem:$0x3FB0] =	sst s1  }
0xa: {  	[smem:$0x3FB1] =	sst s2  }
0xb: {  	[smem:$0x3FB2] =	sst s3  }
0xc: {  	[smem:$0x3FB3] =	sst s4  }
0xd: {  	[smem:$0x3FB4] =	sst s5  }
0xe: {  	[smem:$0x3FB5] =	sst s6  }
0xf: {  	[smem:$0x3FB6] =	sst s7  }
0x10: {  	[smem:$0x3FB7] =	sst s8  }
0x11: {  	[smem:$0x3FB8] =	sst s9;
	s0 =	simm.s32 @!p0 $0x0  }
0x12: {  	s1 =	sld [smem:$0x3F9E];
	s0 =	simm.s32 @p0 $0x1  }
0x13: {  	[smem:$0x3FB9] =	sst s0;
	s0 =	simm.s32 @!p1 $0x0  }
0x14: {  	s2 =	sld [smem:$0x3F9D];
	s0 =	simm.s32 @p1 $0x1  }
0x15: {  	[smem:$0x3FBA] =	sst s0;
	s0 =	simm.s32 @!p2 $0x0  }
0x16: {  	s3 =	sld [smem:$0x3FDB];
	s0 =	simm.s32 @p2 $0x1  }
0x17: {  	s4 =	simm.s32 $0x1BF5;
	[smem:$0x3FBC] =	sst s0  }
0x18: {  	s0 =	sld [smem:$0x3F9F];
	_ =	swait.ge [sflag:s4], $0x0  }
0x19: {  	s7 =	sld [smem:$0x3FA0]  }
0x1a: {  	s8 =	sadd.s32 $0xFFFFE003, lr  }
0x1b: {  	s9 =	sadd.s32 $0xFFFFFEF7, lr;
	s5 =	simm.s32 $0xFFFFFFFF;
	p2 =	slt.u32 s8, $0xFFFFF086  }
0x1c: {  	p1 =	slt.u32 s9, $0xF7A;
	s5 =	simm.s32 @!p2 $0x0  }
0x1d: {  	s5 =	simm.s32 @p1 $0x1;
	p0 =	seq.s32 s7, s2  }
0x1e: {  	s7 =	smul.u32 @!p0 $0xF7A, s2;
	p2 =	seq.s32 @!p0 s5, $0x0  }
0x1f: {  	s9 =	smul.u32 $0xF7A, s1;
	s8 =	simm.s32 @!p0 $0x1BF5;
	p2 =	por !p2, p0  }
0x20: {  	[sflag:s8] =	ssyncset.s32 @!p0 $0xFFFFF086;
	s6 =	sadd.s32 @!p0 s3, s7;
	s7 =	simm.s32 @!p0 $0x108  }
0x21: {  	s3 =	sadd.s32 s3, s9;
	s6 =	sadd.s32 @!p0 $0x88, s6;
	s7 =	simm.s32 @p2 $0x1082  }
0x22: {  	[simem:s7], [sflag:s8] =	dma.local @!p0 [hbm:s6], $0xF7A  }
0x23: {  	s9 =	sor.u32 $0xD0000000, s2;
	s6 =	simm.s32 $0x108;
	_ =	swait.ge @!p0 [sflag:s8], $0x0  }
0x24: {  	s3 =	sadd.s32 $0x88, s3;
	s6 =	simm.s32 @!p1 $0x1082;
	[sflag:s4] =	ssyncset.s32 $0xFFFFF086  }
0x25: {  	[simem:s6], [sflag:s4] =	dma.local [hbm:s3], $0xF7A  }
0x26: {  	[smem:$0x3FA0] =	sst s1;
	(tag) =	ssettag s2;
	_ =	strace s9  }
0x27: {  	s1 =	sld [smem:$0x3FB0]  }
0x28: {  	s2 =	sld [smem:$0x3FB1]  }
0x29: {  	s4 =	sld [smem:$0x3FB3]  }
0x2a: {  	p0 =	seq.s32 s5, $0x0;
	s5 =	sld [smem:$0x3FB4]  }
0x2b: {  	s6 =	sld [smem:$0x3FB5]  }
0x2c: {  	s7 =	sld [smem:$0x3FB6]  }
0x2d: {  	s3 =	simm.s32 $0x108;
	s8 =	sld [smem:$0x3FB7]  }
0x2e: {  	s3 =	simm.s32 @!p0 $0x1082;
	s9 =	sld [smem:$0x3FB8]  }
0x2f: {  	lr =	sadd.s32 s0, s3;
	s0 =	sld [smem:$0x3FAF]  }
0x30: {  	s3 =	sld [smem:$0x3FB2]  }
0x31: {  	[smem:$0x3FBB] =	sst s10  }
0x32: {  	s10 =	sld [smem:$0x3FB9];
	_ =	sdelay $0x3  }
0x33: {  	p0 =	seq.s32 s10, $0x1;
	s10 =	sld [smem:$0x3FBB];
	_ =	sdelay $0x3  }
0x34: {  	[smem:$0x3FBB] =	sst s10  }
0x35: {  	s10 =	sld [smem:$0x3FBA];
	_ =	sdelay $0x3  }
0x36: {  	p1 =	seq.s32 s10, $0x1;
	s10 =	sld [smem:$0x3FBB];
	_ =	sdelay $0x3  }
0x37: {  	[smem:$0x3FBB] =	sst s10  }
0x38: {  	s10 =	sld [smem:$0x3FBC]  }
0x39: {  	_ = 	snop;
	(pc) =	sbr.ind lr, $3  }
0x3a: {  	_ = 	snop  }
0x3b: {  	_ = 	snop  }
0x3c: {  	p2 =	seq.s32 s10, $0x1;
	s10 =	sld [smem:$0x3FBB]  }
0x3d: {  	_ =	shalt  }
0x3e: {  	_ =	shalt  }
0x3f: {  	_ =	shalt  }
0x40: {  	_ =	shalt  }
0x41: {  	_ =	shalt  }
0x42: {  	_ =	shalt  }
0x43: {  	_ =	shalt  }
0x44: {  	_ =	shalt  }
0x45: {  	_ =	shalt  }
0x46: {  	_ =	shalt  }
0x47: {  	_ =	shalt  }
0x48: {  	_ =	shalt  }
0x49: {  	_ =	shalt  }
0x4a: {  	_ =	shalt  }
0x4b: {  	_ =	shalt  }
0x4c: {  	_ =	shalt  }
0x4d: {  	_ =	shalt  }
0x4e: {  	_ =	shalt  }
0x4f: {  	_ =	shalt  }
0x50: {  	_ =	shalt  }
0x51: {  	_ =	shalt  }
0x52: {  	_ =	shalt  }
0x53: {  	_ =	shalt  }
0x54: {  	_ =	shalt  }
0x55: {  	_ =	shalt  }
0x56: {  	_ =	shalt  }
0x57: {  	_ =	shalt  }
0x58: {  	_ =	shalt  }
0x59: {  	_ =	shalt  }
0x5a: {  	_ =	shalt  }
0x5b: {  	_ =	shalt  }
0x5c: {  	_ =	shalt  }
0x5d: {  	_ =	shalt  }
0x5e: {  	_ =	shalt  }
0x5f: {  	_ =	shalt  }
0x60: {  	_ =	shalt  }
0x61: {  	_ =	shalt  }
0x62: {  	_ =	shalt  }
0x63: {  	_ =	shalt  }
0x64: {  	_ =	shalt  }
0x65: {  	_ =	shalt  }
0x66: {  	_ =	shalt  }
0x67: {  	_ =	shalt  }
0x68: {  	_ =	shalt  }
0x69: {  	_ =	shalt  }
0x6a: {  	_ =	shalt  }
0x6b: {  	_ =	shalt  }
0x6c: {  	_ =	shalt  }
0x6d: {  	_ =	shalt  }
0x6e: {  	_ =	shalt  }
0x6f: {  	_ =	shalt  }
0x70: {  	_ =	shalt  }
0x71: {  	_ =	shalt  }
0x72: {  	_ =	shalt  }
0x73: {  	_ =	shalt  }
0x74: {  	_ =	shalt  }
0x75: {  	_ =	shalt  }
0x76: {  	_ =	shalt  }
0x77: {  	_ =	shalt  }
0x78: {  	_ =	shalt  }
0x79: {  	_ =	shalt  }
0x7a: {  	_ =	shalt  }
0x7b: {  	_ =	shalt  }
0x7c: {  	_ =	shalt  }
0x7d: {  	_ =	shalt  }
0x7e: {  	_ =	shalt  }
0x7f: {  	_ =	shalt  }
0x80: {  	_ =	shalt  }
0x81: {  	_ =	shalt  }
0x82: {  	_ =	shalt  }
0x83: {  	_ =	shalt  }
0x84: {  	_ =	shalt  }
0x85: {  	_ =	shalt  }
0x86: {  	_ =	shalt  }
0x87: {  	_ =	shalt  }
.Lfunc_end0:
.L_simem_size_0:
called_computation_lowered:
.L_overlay_start_0:
0x88: {  	s2 =	sld [smem:$0x3FD9]  }
0x89: {  	s3 =	sld [smem:$0x3FFE];
	_ =	sdelay $0x1  }
0x8a: {  	s1 =	srdreg.scid  }
0x8b: {  	s0 =	sand.u32 $0x1, s1  }
0x8c: {  	s17 =	sshll.u32 s0, $0xA;
	s2 =	sadd.s32 s3, s2  }
0x8d: {  	s2 =	sadd.s32 s2, s17  }
0x8e: {  	[smem:$0x3FC7] =	sst s2  }
0x8f: {  	_ = 	snop  }
0x90: {  	s2 =	sld [smem:$0x3FD0];
	(tm) =	ssettm $0x1  }
0x91: {  	s18 =	sld [smem:$0x3FFB];
	_ =	sdelay $0x3  }
0x92: {  	_ =	strace s18  }
0x93: {  	s3 =	sld [smem:$0x3FFC];
	_ =	sdelay $0x3  }
0x94: {  	_ =	strace s3  }
0x95: {  	s3 =	sld [smem:$0x3FFD];
	_ =	sdelay $0x3  }
0x96: {  	_ =	strace s3  }
0x97: {  	_ =	strace $0x8FFFFFFF  }
0x98: {  	s19 =	sld [smem:$0x3FDB];
	_ =	sdelay $0x1  }
0x99: {  	s4 =	simm.s32 $_scs_section_size  }
0x9a: {  	s5 =	simm.s32 $_size__tile_overlayer_lowered;
	s6 =	simm.s32 $_tile_overlayer_lowered  }
0x9b: {  	s22 =	simm.s32 $0x1BFF;
	s21 =	sshll.u32 s6, $0x1;
	s3 =	sadd.s32 s4, s19  }
0x9c: {  	s7 =	simm.s32 $0x0;
	s20 =	sshll.u32 s5, $0x1;
	s5 =	sadd.s32 s21, s3  }
0x9d: {  	[timem:s7], [sflag:s22] =	dma.local [hbm:s5], s20  }
0x9e: {  	_ =	swait.ge [sflag:s22], s20  }
0x9f: {  	s4 =	ssub.s32 $0x0, s20;
	[sflag:s22] =	ssyncset.done $0x0  }
0xa0: {  	[sflag:s22] =	ssyncadd.s32 s4;
	_ =	sdelay $0x1  }
0xa1: {  	s23 =	simm.s32 $0x1B8B  }
0xa2: {  	_ =	swait.ge [sflag:s23], $0x1  }
0xa3: {  	[sflag:s23] =	ssyncset.done $0x0  }
0xa4: {  	s25 =	simm.s32 $0x1B8E;
	s24 =	sld [smem:$0x3FFE];
	[sflag:s23] =	ssyncadd.s32 $0xFFFFFFFF  }
0xa5: {  	s26 =	simm.s32 $execute0_lowered;
	[smem:$0x3FD2] =	sst s25  }
0xa6: {  	s5 =	sshll.u32 s26, $0x1;
	_ =	strace $0x80000046;
	[dreg:$0x1] =	wrdreg $0xFFFFFFFF  }
0xa7: {  	s28 =	simm.s32 $_size_execute0_lowered;
	s3 =	sadd.s32 s3, s5;
	[dreg:$0x0] =	wrdreg $0x0  }
0xa8: {  	s5 =	sshll.u32 s28, $0x1;
	[dreg:$0x2] =	wrdreg s3  }
0xa9: {  	[dreg:$0x3] =	wrdreg s5  }
0xaa: {  	[dreg:$0x4] =	wrdreg $0xC0  }
0xab: {  	_ =	task [dreg:s7], $0x5FFFF  }
0xac: {  	[dreg:$0x1] =	wrdreg $0xFFFFFFFF  }
0xad: {  	[dreg:$0x0] =	wrdreg $0x60  }
0xae: {  	[dreg:$0x2] =	wrdreg s24  }
0xaf: {  	[dreg:$0x3] =	wrdreg s2  }
0xb0: {  	[dreg:$0x4] =	wrdreg $0x9  }
0xb1: {  	_ =	task.clear_ibuf [dreg:s7], $0x5FFFF;
	_ =	strace $0x90000046  }
0xb2: {  	s29 =	simm.s32 $0x9;
	_ =	strace $0x80000048  }
0xb3: {  	_ =	swait.ge [sflag:s29], $0x1  }
0xb4: {  	[sflag:s29] =	ssyncadd.s32 $0xFFFFFFFF  }
0xb5: {  	_ =	strace $0x90000048  }
0xb6: {  	_ =	sfence  }
0xb7: {  	s30 =	sld [smem:$0x0];
	_ =	sdelay $0x2  }
0xb8: {  	s31 =	sshll.u32 s1, $0xD;
	s1 =	sshrl.u32 s1, $0x2  }
0xb9: {  	s3 =	sand.u32 $0x4000, s31;
	s1 =	sadd.s32 s1, s30  }
0xba: {  	s0 =	sor.u32 s3, s0;
	s1 =	sshll.u32 s1, $0x11  }
0xbb: {  	s0 =	sor.u32 s1, s0  }
0xbc: {  	s0 =	sadd.s32 $0x8F2B, s0  }
0xbd: {  	[sflag:s0] =	ssyncadd.remote.s32 $0x1  }
0xbe: {  	_ =	sfence.sel $0xFFFF  }
0xbf: {  	[dreg:$0x0] =	wrdreg $0xFFFFFFFF;
	(pc) =	sbr.abs _section_cstart, $3  }
0xc0: {  	[dreg:$0x1] =	wrdreg $0xFFFFFFFF  }
0xc1: {  	_ =	task.clear_ibuf [dreg:s7], $0x2FFFF;
	_ =	strace $0x9FFFFFFF  }
0xc2: {  	(tm) =	ssettm $0x7FFFFFFF  }
0xc3: {  	_ =	shalt  }
tec
execute0_lowered:
.L_overlay_start_1:
0x0: {  	(tag) =	ssettag $0x1  }
0x1: {  	s0 =	rddreg [dreg:$0x0]  }
0x2: {  	s1 =	rddreg [dreg:$0x1]  }
0x3: {  	s2 =	srdreg.scid;
	s10 =	stileid.u32  }
0x4: {  	s11 =	simm.s32 $0x200;
	s12 =	simm.s32 $0x1;
	s13 =	simm.s32 $0x80  }
0x5: {  	s14 =	simm.s32 $0x180;
	s15 =	simm.s32 $0xC400;
	s16 =	simm.s32 $0x3  }
0x6: {  	s17 =	simm.s32 $0x400;
	s18 =	simm.s32 $0x4;
	s19 =	simm.s32 $0x4400  }
0x7: {  	s20 =	simm.s32 $0x5;
	s21 =	simm.s32 $0x8400;
	s28 =	simm.s32 $0x9  }
0x8: {  	s29 =	simm.s32 $0x300;
	s30 =	simm.s32 $0xA;
	s31 =	simm.s32 $0x380  }
0x9: {  	s6 =	sand.u32 $0x1, s2;
	s2 =	simm.s32 $0x0;
	s3 =	sshll.u32 s10, $0xA  }
0xa: {  	s5 =	sadd.s32 $0x600, s0;
	s24 =	sshll.u32 s10, $0xE;
	s4 =	sshll.u32 s6, $0x9  }
0xb: {  	[smem:$0x7FF] =	sst s2;
	s8 =	ssub.s32 $0x2, s6;
	s25 =	sshll.u32 s6, $0xD  }
0xc: {  	s7 =	sor.u32 s4, s3;
	s3 =	sadd.s32 $0x187000, s0;
	s9 =	sshrl.u32 s8, $0x1  }
0xd: {  	_ =	strace $0x80000047;
	s4 =	sshrl.u32 s7, $0x3;
	s22 =	ssub.s32 s8, s9  }
0xe: {  	s23 =	sor.u32 $0xC000, s7;
	s8 =	sadd.s32 s24, s1;
	s26 =	sor.u32 $0x8000, s7  }
0xf: {  	s24 =	simm.s32 $0x7;
	s4 =	sadd.s32 s3, s4;
	s0 =	smax.u32 s22, $0x1  }
.Ltmp0:
0x10: {  	[dreg:$0x7] =	wrdreg s26;
	s10 =	sadd.s32 s25, s8;
	(pc) =	sbr.rel .LBB2_1-.Ltmp0, $4  }
0x11: {  	s22 =	simm.s32 $0x6;
	s25 =	simm.s32 $0x8;
	[dreg:$0x3] =	wrdreg s4  }
0x12: {  	s4 =	sadd.s32 $0x800, s4;
	[dreg:$0x5] =	wrdreg s0;
	s0 =	sshrl.u32 s23, $0x3  }
0x13: {  	s26 =	simm.s32 $0x280;
	[dreg:$0x4] =	wrdreg s4;
	s0 =	sadd.s32 s0, s3  }
0x14: {  	s23 =	simm.s32 $0x2;
	[dreg:$0x6] =	wrdreg s0;
	s0 =	simm.s32 $0x0  }
.LBB2_4:
0x15: {  	_ =	swait.ge [sflag:s24], $0x4000  }
0x16: {  	[sflag:s24] =	ssyncset.done $0x0  }
0x17: {  	[sflag:s24] =	ssyncadd.s32 $0xFFFFC000  }
0x18: {  	_ =	swait.ge [sflag:s25], $0x4000  }
0x19: {  	[sflag:s25] =	ssyncset.done $0x0  }
0x1a: {  	[sflag:s25] =	ssyncadd.s32 $0xFFFFC000  }
0x1b: {  	_ =	swait.ge [sflag:s28], $0x4000  }
0x1c: {  	[sflag:s28] =	ssyncset.done $0x0  }
0x1d: {  	[sflag:s28] =	ssyncadd.s32 $0xFFFFC000  }
0x1e: {  	_ =	swait.ge [sflag:s30], $0x4000  }
0x1f: {  	s0 =	sadd.s32 $0x1, s0;
	s1 =	rddreg [dreg:$0x5]  }
0x20: {  	p0 =	sne.s32 s0, s1  }
.Ltmp1:
0x21: {  	_ = 	snop;
	(pc) =	sbr.rel @!p0 .LBB2_5-.Ltmp1, $3  }
0x22: {  	_ =	sdelay $0x1  }
0x23: {  	[sflag:s30] =	ssyncset.done $0x0  }
0x24: {  	[sflag:s30] =	ssyncadd.s32 $0xFFFFC000  }
.LBB2_1:
0x25: {  	s1 =	rddreg [dreg:$0x3]  }
0x26: {  	s9 =	rddreg [dreg:$0x4]  }
0x27: {  	[tilespmem:s2], [sflag:$0x1] =	stream.linear.gather [hbm4b:s1+s2], $0x200, $0x38;
	[tilespmem:$0x10400] =	vst v63  }
0x28: {  	s8 =	rddreg [dreg:$0x6]  }
0x29: {  	[tilespmem:s11], [sflag:$0x2] =	stream.linear.gather [hbm4b:s9+s2], $0x200, $0x38;
	[tilespmem:$0x10400] =	vst v63  }
0x2a: {  	s7 =	simm.s32 $0x0;
	s9 =	rddreg [dreg:$0x7]  }
.LBB2_2:
0x2b: {  	_ =	swait.ge [sflag:s12], $0x200;
	p0 =	seq.s32 s7, $0x0  }
0x2c: {  	[sflag:s12] =	ssyncset.done $0x0;
	s4 =	simm.s32 @p0 $0x80  }
0x2d: {  	s6 =	simm.s32 @p0 $0x0;
	s1 =	simm.s32 @p0 $0x400;
	[sflag:s12] =	ssyncadd.s32 $0xFFFFFE00  }
0x2e: {  	[tilespmem:s1], [sflag:$0x3] =	stream.indirect.gather @p0 [hbm4b:s5+s4], $0x80, s6, s4, $0xb8;
	[tilespmem:$0x10400] =	vst v63  }
0x2f: {  	s1 =	simm.s32 @p0 $0x4400  }
0x30: {  	[tilespmem:s1], [sflag:$0x4] =	stream.indirect.gather @p0 [hbm4b:s5+s4], $0x80, s4, s4, $0xb8;
	[tilespmem:$0x10400] =	vst v63  }
0x31: {  	s6 =	simm.s32 @p0 $0x8400;
	s1 =	simm.s32 @p0 $0x100  }
0x32: {  	[tilespmem:s6], [sflag:$0x5] =	stream.indirect.gather @p0 [hbm4b:s5+s4], $0x80, s1, s4, $0xb8;
	[tilespmem:$0x10400] =	vst v63  }
0x33: {  	s1 =	simm.s32 @!p0 $0x7  }
0x34: {  	_ =	swait.ge @!p0 [sflag:s1], $0x4000  }
0x35: {  	s4 =	simm.s32 @!p0 $0x0;
	[sflag:s1] =	ssyncset.done @!p0 $0x0  }
0x36: {  	s6 =	simm.s32 @!p0 $0x400;
	[sflag:s1] =	ssyncadd.s32 @!p0 $0xFFFFC000;
	s1 =	simm.s32 @!p0 $0x80  }
0x37: {  	[tilespmem:s6], [sflag:$0x3] =	stream.indirect.gather @!p0 [hbm4b:s5+s1], $0x80, s4, s1, $0xb8;
	[tilespmem:$0x10400] =	vst v63  }
0x38: {  	s4 =	simm.s32 @!p0 $0x8  }
0x39: {  	_ =	swait.ge @!p0 [sflag:s4], $0x4000  }
0x3a: {  	[sflag:s4] =	ssyncset.done @!p0 $0x0  }
0x3b: {  	[sflag:s4] =	ssyncadd.s32 @!p0 $0xFFFFC000;
	s4 =	simm.s32 @!p0 $0x4400  }
0x3c: {  	[tilespmem:s4], [sflag:$0x4] =	stream.indirect.gather @!p0 [hbm4b:s5+s1], $0x80, s1, s1, $0xb8;
	[tilespmem:$0x10400] =	vst v63  }
0x3d: {  	s4 =	simm.s32 @!p0 $0x9  }
0x3e: {  	_ =	swait.ge @!p0 [sflag:s4], $0x4000  }
0x3f: {  	[sflag:s4] =	ssyncset.done @!p0 $0x0  }
0x40: {  	s6 =	simm.s32 @!p0 $0x8400;
	[sflag:s4] =	ssyncadd.s32 @!p0 $0xFFFFC000;
	s4 =	simm.s32 @!p0 $0x100  }
0x41: {  	[tilespmem:s6], [sflag:$0x5] =	stream.indirect.gather @!p0 [hbm4b:s5+s1], $0x80, s4, s1, $0xb8;
	[tilespmem:$0x10400] =	vst v63  }
0x42: {  	s1 =	simm.s32 @!p0 $0xA  }
0x43: {  	_ =	swait.ge @!p0 [sflag:s1], $0x4000  }
0x44: {  	[sflag:s1] =	ssyncset.done @!p0 $0x0  }
0x45: {  	[sflag:s1] =	ssyncadd.s32 @!p0 $0xFFFFC000  }
0x46: {  	[tilespmem:s15], [sflag:$0x6] =	stream.indirect.gather [hbm4b:s5+s13], $0x80, s14, s13, $0xb8;
	[tilespmem:$0x10400] =	vst v63  }
0x47: {  	_ =	swait.ge [sflag:s16], $0x4000  }
0x48: {  	[sflag:s16] =	ssyncset.done $0x0  }
0x49: {  	s1 =	sadd.s32 s7, s10;
	[sflag:s16] =	ssyncadd.s32 $0xFFFFC000  }
0x4a: {  	[hbm4b:s1+s2] =	stream.linear.scatter [tilespmem:s17], [sflag:$0x7], $0x4000, $0x38;
	[tilespmem:$0x10400] =	vst v63  }
0x4b: {  	_ =	swait.ge [sflag:s18], $0x4000  }
0x4c: {  	[sflag:s18] =	ssyncset.done $0x0  }
0x4d: {  	s6 =	sadd.s32 $0x800, s1;
	[sflag:s18] =	ssyncadd.s32 $0xFFFFC000  }
0x4e: {  	[hbm4b:s6+s2] =	stream.linear.scatter [tilespmem:s19], [sflag:$0x8], $0x4000, $0x38;
	[tilespmem:$0x10400] =	vst v63  }
0x4f: {  	_ =	swait.ge [sflag:s20], $0x4000  }
0x50: {  	[sflag:s20] =	ssyncset.done $0x0  }
0x51: {  	s6 =	sadd.s32 $0x1000, s1;
	[sflag:s20] =	ssyncadd.s32 $0xFFFFC000  }
0x52: {  	[hbm4b:s6+s2] =	stream.linear.scatter [tilespmem:s21], [sflag:$0x9], $0x4000, $0x38;
	[tilespmem:$0x10400] =	vst v63  }
0x53: {  	_ =	swait.ge [sflag:s22], $0x4000  }
0x54: {  	p0 =	seq.s32 s7, $0xC00000;
	[sflag:s22] =	ssyncset.done $0x0  }
0x55: {  	s4 =	sshrl.u32 @!p0 s9, $0x3;
	s6 =	sadd.s32 $0x1800, s1;
	[sflag:s22] =	ssyncadd.s32 $0xFFFFC000  }
0x56: {  	[hbm4b:s6+s2] =	stream.linear.scatter [tilespmem:s15], [sflag:$0xA], $0x4000, $0x38;
	[tilespmem:$0x10400] =	vst v63  }
0x57: {  	s4 =	sadd.s32 @!p0 s3, s4;
	s6 =	simm.s32 @!p0 $0x0  }
0x58: {  	[tilespmem:s6], [sflag:$0x1] =	stream.linear.gather @!p0 [hbm4b:s4+s6], $0x200, $0x38;
	[tilespmem:$0x10400] =	vst v63  }
0x59: {  	_ =	swait.ge [sflag:s23], $0x200  }
0x5a: {  	[sflag:s23] =	ssyncset.done $0x0  }
0x5b: {  	[sflag:s23] =	ssyncadd.s32 $0xFFFFFE00  }
0x5c: {  	_ =	swait.ge [sflag:s24], $0x4000  }
0x5d: {  	[sflag:s24] =	ssyncset.done $0x0  }
0x5e: {  	[sflag:s24] =	ssyncadd.s32 $0xFFFFC000  }
0x5f: {  	[tilespmem:s17], [sflag:$0x3] =	stream.indirect.gather [hbm4b:s5+s13], $0x80, s11, s13, $0xb8;
	[tilespmem:$0x10400] =	vst v63  }
0x60: {  	_ =	swait.ge [sflag:s25], $0x4000  }
0x61: {  	[sflag:s25] =	ssyncset.done $0x0  }
0x62: {  	[sflag:s25] =	ssyncadd.s32 $0xFFFFC000  }
0x63: {  	[tilespmem:s19], [sflag:$0x4] =	stream.indirect.gather [hbm4b:s5+s13], $0x80, s26, s13, $0xb8;
	[tilespmem:$0x10400] =	vst v63  }
0x64: {  	_ =	swait.ge [sflag:s28], $0x4000  }
0x65: {  	[sflag:s28] =	ssyncset.done $0x0  }
0x66: {  	[sflag:s28] =	ssyncadd.s32 $0xFFFFC000  }
0x67: {  	[tilespmem:s21], [sflag:$0x5] =	stream.indirect.gather [hbm4b:s5+s13], $0x80, s29, s13, $0xb8;
	[tilespmem:$0x10400] =	vst v63  }
0x68: {  	_ =	swait.ge [sflag:s30], $0x4000  }
0x69: {  	[sflag:s30] =	ssyncset.done $0x0  }
0x6a: {  	[sflag:s30] =	ssyncadd.s32 $0xFFFFC000  }
0x6b: {  	[tilespmem:s15], [sflag:$0x6] =	stream.indirect.gather [hbm4b:s5+s13], $0x80, s31, s13, $0xb8;
	[tilespmem:$0x10400] =	vst v63  }
0x6c: {  	_ =	swait.ge [sflag:s16], $0x4000  }
0x6d: {  	[sflag:s16] =	ssyncset.done $0x0  }
0x6e: {  	s6 =	sadd.s32 $0x40000, s1;
	[sflag:s16] =	ssyncadd.s32 $0xFFFFC000  }
0x6f: {  	[hbm4b:s6+s2] =	stream.linear.scatter [tilespmem:s17], [sflag:$0x7], $0x4000, $0x38;
	[tilespmem:$0x10400] =	vst v63  }
0x70: {  	_ =	swait.ge [sflag:s18], $0x4000  }
0x71: {  	[sflag:s18] =	ssyncset.done $0x0  }
0x72: {  	s6 =	sadd.s32 $0x40800, s1;
	[sflag:s18] =	ssyncadd.s32 $0xFFFFC000  }
0x73: {  	[hbm4b:s6+s2] =	stream.linear.scatter [tilespmem:s19], [sflag:$0x8], $0x4000, $0x38;
	[tilespmem:$0x10400] =	vst v63  }
0x74: {  	_ =	swait.ge [sflag:s20], $0x4000  }
0x75: {  	[sflag:s20] =	ssyncset.done $0x0  }
0x76: {  	s6 =	sadd.s32 $0x41000, s1;
	[sflag:s20] =	ssyncadd.s32 $0xFFFFC000  }
0x77: {  	[hbm4b:s6+s2] =	stream.linear.scatter [tilespmem:s21], [sflag:$0x9], $0x4000, $0x38;
	[tilespmem:$0x10400] =	vst v63  }
.Ltmp2:
0x78: {  	_ = 	snop;
	(pc) =	sbr.rel @p0 .LBB2_4-.Ltmp2, $4  }
0x79: {  	_ =	swait.ge [sflag:s22], $0x4000  }
0x7a: {  	[sflag:s22] =	ssyncset.done $0x0  }
0x7b: {  	s1 =	sadd.s32 $0x41800, s1;
	[sflag:s22] =	ssyncadd.s32 $0xFFFFC000  }
0x7c: {  	[hbm4b:s1+s2] =	stream.linear.scatter [tilespmem:s15], [sflag:$0xA], $0x4000, $0x38;
	[tilespmem:$0x10400] =	vst v63  }
.Ltmp3:
0x7d: {  	(pc) =	sbr.rel .LBB2_2-.Ltmp3, $3  }
0x7e: {  	_ =	sdelay $0x1  }
0x7f: {  	[tilespmem:s11], [sflag:$0x2] =	stream.linear.gather [hbm4b:s8+s2], $0x200, $0x38;
	[tilespmem:$0x10400] =	vst v63  }
0x80: {  	s7 =	sadd.s32 $0x80000, s7;
	s8 =	sadd.s32 $0x1000, s8;
	s9 =	sadd.s32 $0x8000, s9  }
.LBB2_5:
0x81: {  	_ =	sfence.sel $0x180000  }
0x82: {  	[bflag:$0x0] =	sbarrier.arrive $0xFFFF  }
0x83: {  	_ =	strace $0x90000047  }
0x84: {  	s0 =	stileid.u32;
	[bflag:$0x2] =	sbarrier.arrive $0xFFFF  }
0x85: {  	p0 =	sne.s32 s0, $0x0;
	s0 =	rddreg [dreg:$0x2]  }
0x86: {  	s0 =	sadd.s32 @!p0 $0x100000, s0  }
0x87: {  	[sflag:s0] =	ssyncadd.tile.s32 @!p0 $0x1;
	_ =	shalt  }
.Lfunc_end2:
_tile_overlayer_lowered:
.L_overlay_start_2:
0x88: {  	(tag) =	ssettag $0x2  }
0x89: {  	s0 =	rddreg [dreg:$0x0];
	s2 =	stileid.u32  }
0x8a: {  	s1 =	rddreg [dreg:$0x1];
	p0 =	sne.s32 s2, $0x0  }
0x8b: {  	s3 =	rddreg [dreg:$0x2];
	[bflag:$0x3] =	sbarrier.arrive $0xFFFF;
	s2 =	simm.s32 @!p0 $0x1C0B  }
0x8c: {  	[timem:s3], [sflag:s2] =	dma.local @!p0 [hbm:s0], s1  }
0x8d: {  	s0 =	simm.s32 @!p0 $0xB  }
0x8e: {  	_ =	swait.ge @!p0 [sflag:s0], s1  }
0x8f: {  	s1 =	ssub.s32 @!p0 $0x0, s1;
	[sflag:s0] =	ssyncset.done @!p0 $0x0  }
0x90: {  	[sflag:s0] =	ssyncadd.s32 @!p0 s1  }
0x91: {  	[bflag:$0x3] =	sbarrier.arrive $0xFFFF  }
0x92: {  	_ =	shalt  }

</sc_bundles>
